<compile_context>
chip_gen: v7x
topology: tpu7x:2x2x1
jax: 0.10.2.dev20260603
libtpu: 0.0.44.dev20260713+nightly
codegen_flags: <defaults>
</compile_context>

<pallas_src>
import functools

import jax
import jax.numpy as jnp
from jax import lax
from jax.experimental import pallas as pl
from jax.experimental.pallas import tpu as pltpu
from jax.experimental.pallas import tpu_sc as plsc

MAX_D = 10
D_ROWS = MAX_D + 1
N_DIR = 3
N_CODES = D_ROWS * N_DIR
EMBED = 64

NW = 32
BLK = 16384
EP = 49 * BLK
PER_W = EP // NW
CHUNK = 3136
NGRP = CHUNK // 16


def _fused_table_body(ed_ref, eg_ref, dt_ref, gt_ref, w1_ref, w2_ref, b_ref,
                      out_ref):
    dist_part = jnp.dot(ed_ref[...], dt_ref[...],
                        preferred_element_type=jnp.float32)
    dir_part = jnp.dot(eg_ref[...], gt_ref[...],
                       preferred_element_type=jnp.float32)
    out_ref[...] = (
        jnp.dot(dist_part, w1_ref[...], preferred_element_type=jnp.float32)
        + jnp.dot(dir_part, w2_ref[...], preferred_element_type=jnp.float32)
        + b_ref[...]
    )


def _expand_body(codes_ref, fusedt_ref, out_ref):
    c = codes_ref[0]
    ft = fusedt_ref[...]
    for r in range(8):
        cb = jnp.broadcast_to(c[r:r + 1, :], (EMBED, BLK // 8))
        got = jnp.take_along_axis(
            ft, cb, axis=1, mode=lax.GatherScatterMode.PROMISE_IN_BOUNDS)
        out_ref[:, pl.ds(r * (BLK // 8), BLK // 8)] = got


def _split_body(ei_ref, s_ref, d_ref):
    s_ref[...] = ei_ref[0, :]
    d_ref[...] = ei_ref[1, :]


def _make_sc_codes_kernel(n_edges, n_nodes):
    assert n_edges == 800000 and EP >= n_edges
    mesh = plsc.VectorSubcoreMesh(core_axis_name="c", subcore_axis_name="s")
    TAIL_BASE = (NW - 1) * PER_W + 7 * CHUNK
    TAIL_VALID = n_edges - TAIL_BASE
    TAIL_GRPS = TAIL_VALID // 16

    @functools.partial(
        pl.kernel,
        mesh=mesh,
        compiler_params=pltpu.CompilerParams(needs_layout_passes=False,
                                             use_tc_tiling_on_sc=False),
        out_type=jax.ShapeDtypeStruct((EP,), jnp.int32),
        scratch_types=[
            pltpu.VMEM((n_nodes,), jnp.int32),
            pltpu.VMEM((CHUNK,), jnp.int32),
            pltpu.VMEM((CHUNK,), jnp.int32),
            pltpu.VMEM((CHUNK,), jnp.int32),
            pltpu.SemaphoreType.DMA,
            pltpu.SemaphoreType.DMA,
        ],
    )
    def sc_kernel(src_hbm, dst_hbm, dist_hbm, codes_hbm,
                  dist_v, src_v, dst_v, codes_v, sem1, sem2):
        wid = lax.axis_index("s") * 2 + lax.axis_index("c")
        pltpu.sync_copy(dist_hbm, dist_v)

        def compute_groups(g0, g1):
            def grp_body(g, carry):
                sidx = jnp.clip(src_v[pl.ds(g * 16, 16)], 0, n_nodes - 1)
                didx = jnp.clip(dst_v[pl.ds(g * 16, 16)], 0, n_nodes - 1)
                s = plsc.load_gather(dist_v, [sidx])
                t = plsc.load_gather(dist_v, [didx])
                ed = jnp.clip(jnp.minimum(s, t), 0, MAX_D)
                dirn = jnp.where(s < t, 1, jnp.where(s > t, 0, 2))
                codes_v[pl.ds(g * 16, 16)] = ed * N_DIR + dirn
                return carry
            lax.fori_loop(g0, g1, grp_body, 0, unroll=False)

        def chunk_body(i, carry):
            base = wid * PER_W + i * CHUNK
            cs = pltpu.async_copy(src_hbm.at[pl.ds(base, CHUNK)], src_v, sem1)
            cd = pltpu.async_copy(dst_hbm.at[pl.ds(base, CHUNK)], dst_v, sem2)
            cs.wait()
            cd.wait()
            compute_groups(0, NGRP)
            pltpu.sync_copy(codes_v, codes_hbm.at[pl.ds(base, CHUNK)])
            return carry

        n_full = jnp.where(wid == NW - 1, 7, 8)
        lax.fori_loop(0, n_full, chunk_body, 0, unroll=False)

        @pl.when(wid == NW - 1)
        def _tail():
            pltpu.sync_copy(src_hbm.at[pl.ds(TAIL_BASE, TAIL_VALID)],
                            src_v.at[pl.ds(0, TAIL_VALID)])
            pltpu.sync_copy(dst_hbm.at[pl.ds(TAIL_BASE, TAIL_VALID)],
                            dst_v.at[pl.ds(0, TAIL_VALID)])
            compute_groups(0, TAIL_GRPS)
            zeros = jnp.zeros((16,), jnp.int32)

            def pad_body(g, carry):
                codes_v[pl.ds(g * 16, 16)] = zeros
                return carry
            lax.fori_loop(TAIL_GRPS, NGRP, pad_body, 0, unroll=False)
            pltpu.sync_copy(codes_v, codes_hbm.at[pl.ds(TAIL_BASE, CHUNK)])

    return sc_kernel


def kernel(edge_index, distances, num_nodes, dist_table, dir_table, W, b):
    n_edges = edge_index.shape[1]
    n_nodes = distances.shape[0]

    codes = jnp.arange(N_CODES, dtype=jnp.int32)
    ed_onehot = jax.nn.one_hot(codes // N_DIR, D_ROWS, dtype=jnp.float32)
    eg_onehot = jax.nn.one_hot(codes % N_DIR, N_DIR, dtype=jnp.float32)

    fused = pl.pallas_call(
        _fused_table_body,
        out_shape=jax.ShapeDtypeStruct((N_CODES, EMBED), jnp.float32),
    )(ed_onehot, eg_onehot, dist_table, dir_table,
      W[:EMBED], W[EMBED:], b.reshape(1, EMBED))

    ei = edge_index.astype(jnp.int32)
    sblk = 65536
    nsp = -(-n_edges // sblk)
    src, dst = pl.pallas_call(
        _split_body,
        grid=(nsp,),
        in_specs=[pl.BlockSpec((2, sblk), lambda i: (0, i))],
        out_specs=[pl.BlockSpec((sblk,), lambda i: (i,)),
                   pl.BlockSpec((sblk,), lambda i: (i,))],
        out_shape=[jax.ShapeDtypeStruct((n_edges,), jnp.int32),
                   jax.ShapeDtypeStruct((n_edges,), jnp.int32)],
    )(ei)
    sc_codes = _make_sc_codes_kernel(n_edges, n_nodes)
    codes1d = sc_codes(src, dst, distances.astype(jnp.int32))
    codes3 = codes1d.reshape(EP // BLK, 8, BLK // 8)

    out_t = pl.pallas_call(
        _expand_body,
        grid=(EP // BLK,),
        in_specs=[
            pl.BlockSpec((1, 8, BLK // 8), lambda i: (i, 0, 0)),
            pl.BlockSpec((EMBED, N_CODES), lambda i: (0, 0)),
        ],
        out_specs=pl.BlockSpec((EMBED, BLK), lambda i: (0, i)),
        out_shape=jax.ShapeDtypeStruct((EMBED, n_edges), jnp.float32),
    )(codes3, jnp.transpose(fused))
    return out_t.T

# --- scband reference (transcript-rebuilt; emitter-appended) ---
"""Pipeline reference for scband-directed-distance-encoding-72181220376643 (READ-ONLY COPY).

The authoritative reference and input builder live on the scoring server;
editing this copy changes nothing except your own understanding.
"""

import jax, jax.numpy as jnp
import numpy as np

MAX_DISTANCE = 10
EMBED_DIM = 64
N_NODES = 50000
N_EDGES = 800000

def setup_inputs(seed: int = 0) -> dict:
    key = jax.random.key(seed)
    k1, k2, k3, k4, k5 = jax.random.split(key, 5)
    edge_index = jax.random.randint(k1, (2, N_EDGES), 0, N_NODES)
    distances = jax.random.randint(k2, (N_NODES,), 0, 15).astype(jnp.int32)
    dist_table = jax.random.normal(k3, (MAX_DISTANCE + 1, EMBED_DIM), dtype=jnp.float32)
    dir_table = jax.random.normal(k4, (3, EMBED_DIM), dtype=jnp.float32)
    W = jax.random.normal(k5, (2 * EMBED_DIM, EMBED_DIM), dtype=jnp.float32) * 0.05
    b = jnp.zeros((EMBED_DIM,), dtype=jnp.float32)
    return {"edge_index": edge_index, "distances": distances, "num_nodes": N_NODES,
            "dist_table": dist_table, "dir_table": dir_table, "W": W, "b": b}

def reference(edge_index, distances, num_nodes, dist_table, dir_table, W, b):
    src_nodes = edge_index[0]
    dst_nodes = edge_index[1]
    src_distances = jnp.take(distances, src_nodes, axis=0)
    dst_distances = jnp.take(distances, dst_nodes, axis=0)
    edge_distances = jnp.minimum(src_distances, dst_distances)
    edge_distances = jnp.clip(edge_distances, 0, MAX_DISTANCE).astype(jnp.int32)
    direction = jnp.where(src_distances < dst_distances, 1,
                          jnp.where(src_distances > dst_distances, 0, 2))
    distance_emb = jnp.take(dist_table, edge_distances, axis=0)
    direction_emb = jnp.take(dir_table, direction, axis=0)
    combined = jnp.concatenate([distance_emb, direction_emb], axis=-1)
    edge_encodings = combined @ W + b
    return edge_encodings

if __name__ == "__main__":
    import jax
    _d = setup_inputs()
    print(jax.jit(kernel)(*tuple(_d.values())))

</pallas_src>

<mosaic_0001>
#map = affine_map<(d0, d1) -> (0)>
module attributes {stable_mosaic.version = 14 : i64} {
  func.func @sc_kernel(%arg0: i32, %arg1: i32, %arg2: memref<800000xi32, #tpu.memory_space<hbm>>, %arg3: memref<800000xi32, #tpu.memory_space<hbm>>, %arg4: memref<50000xi32, #tpu.memory_space<hbm>>, %arg5: memref<802816xi32, #tpu.memory_space<hbm>>, %arg6: memref<50000xi32, #tpu.memory_space<vmem>>, %arg7: memref<3136xi32, #tpu.memory_space<vmem>>, %arg8: memref<3136xi32, #tpu.memory_space<vmem>>, %arg9: memref<3136xi32, #tpu.memory_space<vmem>>, %arg10: memref<!tpu.dma_semaphore, #tpu.memory_space<semaphore_mem>>, %arg11: memref<!tpu.dma_semaphore, #tpu.memory_space<semaphore_mem>>) attributes {dimension_semantics = [#tpu.dimension_semantics<core_parallel>, #tpu.dimension_semantics<subcore_parallel>], iteration_bounds = array<i64: 2, 16>, scalar_prefetch = 0 : i64, scratch_operands = 6 : i64, tpu.core_type = #tpu.core_type<sc_vector_subcore>, window_params = [{transform_indices = #map}, {transform_indices = #map}, {transform_indices = #map}, {transform_indices = #map}]} {
    %mul3A = arith.constant 2 : i32
    %mul3A_0 = arith.muli %arg1, %mul3A : i32
    %add3A = arith.addi %mul3A_0, %arg0 : i32
    "tpu.region"() ({
      %run_scoped3A = tpu.sem_alloc : memref<!tpu.dma_semaphore, #tpu.memory_space<semaphore_mem>>
      tpu.enqueue_dma source(%arg4 : memref<50000xi32, #tpu.memory_space<hbm>>) target(%arg6 : memref<50000xi32, #tpu.memory_space<vmem>>) target_semaphore(%run_scoped3A : memref<!tpu.dma_semaphore, #tpu.memory_space<semaphore_mem>>)
      tpu.wait_dma2 semaphore(%run_scoped3A : memref<!tpu.dma_semaphore, #tpu.memory_space<semaphore_mem>>) src(%arg4 : memref<50000xi32, #tpu.memory_space<hbm>>) dst(%arg6 : memref<50000xi32, #tpu.memory_space<vmem>>)
      tpu.yield
    }) : () -> ()
    %eq3A = arith.constant 31 : i32
    %eq3A_1 = arith.cmpi eq, %add3A, %eq3A : i32
    %jit3A = arith.constant 7 : i32
    %jit3A_2 = arith.constant 8 : i32
    %select_n3A = arith.select %eq3A_1, %jit3A, %jit3A_2 : i32
    %while3A = arith.constant 0 : i32
    %while3A_3 = arith.constant 0 : i32
    %while3A_4 = arith.subi %select_n3A, %while3A_3 : i32
    %while3A_5 = arith.addi %while3A_3, %while3A_4 : i32
    %while3A_6 = arith.constant 1 : i32
    %while3A_7 = arith.divsi %while3A_4, %while3A_6 : i32
    %while3A_8 = arith.muli %while3A_7, %while3A_6 : i32
    %while3A_9 = arith.addi %while3A_3, %while3A_8 : i32
    %while3A_10 = arith.constant 1 : i32
    scf.for %while3A_15 = %while3A_3 to %while3A_9 step %while3A_10  : i32 {
      %mul3A_16 = arith.constant 25088 : i32
      %mul3A_17 = arith.muli %add3A, %mul3A_16 : i32
      %mul3A_18 = arith.constant 3136 : i32
      %mul3A_19 = arith.muli %while3A_15, %mul3A_18 : i32
      %add3A_20 = arith.addi %mul3A_17, %mul3A_19 : i32
      %dma_start3A = tpu.memref_slice %arg2[%add3A_20] : memref<800000xi32, #tpu.memory_space<hbm>> -> memref<3136xi32, #tpu.memory_space<hbm>>
      %dma_start3A_21 = tpu.memref_slice %arg2[%add3A_20] : memref<800000xi32, #tpu.memory_space<hbm>> -> memref<3136xi32, #tpu.memory_space<hbm>>
      tpu.enqueue_dma source(%dma_start3A_21 : memref<3136xi32, #tpu.memory_space<hbm>>) target(%arg7 : memref<3136xi32, #tpu.memory_space<vmem>>) target_semaphore(%arg10 : memref<!tpu.dma_semaphore, #tpu.memory_space<semaphore_mem>>)
      %dma_start3A_22 = tpu.memref_slice %arg3[%add3A_20] : memref<800000xi32, #tpu.memory_space<hbm>> -> memref<3136xi32, #tpu.memory_space<hbm>>
      %dma_start3A_23 = tpu.memref_slice %arg3[%add3A_20] : memref<800000xi32, #tpu.memory_space<hbm>> -> memref<3136xi32, #tpu.memory_space<hbm>>
      tpu.enqueue_dma source(%dma_start3A_23 : memref<3136xi32, #tpu.memory_space<hbm>>) target(%arg8 : memref<3136xi32, #tpu.memory_space<vmem>>) target_semaphore(%arg11 : memref<!tpu.dma_semaphore, #tpu.memory_space<semaphore_mem>>)
      %dma_wait3A = tpu.memref_slice %arg2[%add3A_20] : memref<800000xi32, #tpu.memory_space<hbm>> -> memref<3136xi32, #tpu.memory_space<hbm>>
      %dma_wait3A_24 = tpu.memref_slice %arg2[%add3A_20] : memref<800000xi32, #tpu.memory_space<hbm>> -> memref<3136xi32, #tpu.memory_space<hbm>>
      tpu.wait_dma2 semaphore(%arg10 : memref<!tpu.dma_semaphore, #tpu.memory_space<semaphore_mem>>) src(%dma_wait3A_24 : memref<3136xi32, #tpu.memory_space<hbm>>) dst(%arg7 : memref<3136xi32, #tpu.memory_space<vmem>>)
      %dma_wait3A_25 = tpu.memref_slice %arg3[%add3A_20] : memref<800000xi32, #tpu.memory_space<hbm>> -> memref<3136xi32, #tpu.memory_space<hbm>>
      %dma_wait3A_26 = tpu.memref_slice %arg3[%add3A_20] : memref<800000xi32, #tpu.memory_space<hbm>> -> memref<3136xi32, #tpu.memory_space<hbm>>
      tpu.wait_dma2 semaphore(%arg11 : memref<!tpu.dma_semaphore, #tpu.memory_space<semaphore_mem>>) src(%dma_wait3A_26 : memref<3136xi32, #tpu.memory_space<hbm>>) dst(%arg8 : memref<3136xi32, #tpu.memory_space<vmem>>)
      %scan3A = arith.constant 0 : i32
      %scan3A_27 = arith.constant 0 : i32
      %scan3A_28 = arith.constant 196 : i32
      %scan3A_29 = arith.addi %scan3A_27, %scan3A_28 : i32
      %scan3A_30 = arith.constant 1 : i32
      scf.for %scan3A_32 = %scan3A_27 to %scan3A_29 step %scan3A_30  : i32 {
        %mul3A_33 = arith.constant 16 : i32
        %mul3A_34 = arith.muli %scan3A_32, %mul3A_33 : i32
        %get3A = arith.index_cast %mul3A_34 : i32 to index
        %get3A_35 = tpu.vector_load %arg7[%get3A] {strides = array<i32>} : memref<3136xi32, #tpu.memory_space<vmem>>, vector<16xi32>,
        %jit3A_36 = arith.constant 0 : i32
        %jit3A_37 = arith.constant 49999 : i32
        %max3A = vector.broadcast %jit3A_36 : i32 to vector<16xi32>
        %max3A_38 = arith.maxsi %max3A, %get3A_35 : vector<16xi32>
        %min3A = vector.broadcast %jit3A_37 : i32 to vector<16xi32>
        %min3A_39 = arith.minsi %min3A, %max3A_38 : vector<16xi32>
        %mul3A_40 = arith.constant 16 : i32
        %mul3A_41 = arith.muli %scan3A_32, %mul3A_40 : i32
        %get3A_42 = arith.index_cast %mul3A_41 : i32 to index
        %get3A_43 = tpu.vector_load %arg8[%get3A_42] {strides = array<i32>} : memref<3136xi32, #tpu.memory_space<vmem>>, vector<16xi32>,
        %jit3A_44 = arith.constant 0 : i32
        %jit3A_45 = arith.constant 49999 : i32
        %max3A_46 = vector.broadcast %jit3A_44 : i32 to vector<16xi32>
        %max3A_47 = arith.maxsi %max3A_46, %get3A_43 : vector<16xi32>
        %min3A_48 = vector.broadcast %jit3A_45 : i32 to vector<16xi32>
        %min3A_49 = arith.minsi %min3A_48, %max3A_47 : vector<16xi32>
        %gather3A = tpu.vector_load_idx %arg6[%min3A_39] : memref<50000xi32, #tpu.memory_space<vmem>>[vector<16xi32>], vector<16xi32>,
        %gather3A_50 = tpu.vector_load_idx %arg6[%min3A_49] : memref<50000xi32, #tpu.memory_space<vmem>>[vector<16xi32>], vector<16xi32>,
        %min3A_51 = arith.minsi %gather3A, %gather3A_50 : vector<16xi32>
        %jit3A_52 = arith.constant 0 : i32
        %jit3A_53 = arith.constant 10 : i32
        %max3A_54 = vector.broadcast %jit3A_52 : i32 to vector<16xi32>
        %max3A_55 = arith.maxsi %max3A_54, %min3A_51 : vector<16xi32>
        %min3A_56 = vector.broadcast %jit3A_53 : i32 to vector<16xi32>
        %min3A_57 = arith.minsi %min3A_56, %max3A_55 : vector<16xi32>
        %lt3A = arith.cmpi slt, %gather3A, %gather3A_50 : vector<16xi32>
        %gt3A = arith.cmpi sgt, %gather3A, %gather3A_50 : vector<16xi32>
        %jit3A_58 = arith.constant 0 : i32
        %jit3A_59 = arith.constant 2 : i32
        %broadcast_in_dim3A = vector.broadcast %jit3A_58 : i32 to vector<16xi32>
        %broadcast_in_dim3A_60 = vector.broadcast %jit3A_59 : i32 to vector<16xi32>
        %select_n3A_61 = arith.select %gt3A, %broadcast_in_dim3A, %broadcast_in_dim3A_60 : vector<16xi1>, vector<16xi32>
        %jit3A_62 = arith.constant 1 : i32
        %broadcast_in_dim3A_63 = vector.broadcast %jit3A_62 : i32 to vector<16xi32>
        %select_n3A_64 = arith.select %lt3A, %broadcast_in_dim3A_63, %select_n3A_61 : vector<16xi1>, vector<16xi32>
        %mul3A_65 = arith.constant 3 : i32
        %mul3A_66 = vector.broadcast %mul3A_65 : i32 to vector<16xi32>
        %mul3A_67 = arith.muli %min3A_57, %mul3A_66 : vector<16xi32>
        %add3A_68 = arith.addi %mul3A_67, %select_n3A_64 : vector<16xi32>
        %mul3A_69 = arith.constant 16 : i32
        %mul3A_70 = arith.muli %scan3A_32, %mul3A_69 : i32
        %swap3A = arith.index_cast %mul3A_70 : i32 to index
        %swap3A_71 = tpu.vector_load %arg9[%swap3A] {strides = array<i32>} : memref<3136xi32, #tpu.memory_space<vmem>>, vector<16xi32>,
        tpu.vector_store %arg9[%swap3A], %add3A_68 {strides = array<i32>} : memref<3136xi32, #tpu.memory_space<vmem>>, vector<16xi32>,
      }
      %scan3A_31 = arith.constant 196 : i32
      "tpu.region"() ({
        %run_scoped3A = tpu.sem_alloc : memref<!tpu.dma_semaphore, #tpu.memory_space<semaphore_mem>>
        %dma_start3A_32 = tpu.memref_slice %arg5[%add3A_20] : memref<802816xi32, #tpu.memory_space<hbm>> -> memref<3136xi32, #tpu.memory_space<hbm>>
        %dma_start3A_33 = tpu.memref_slice %arg5[%add3A_20] : memref<802816xi32, #tpu.memory_space<hbm>> -> memref<3136xi32, #tpu.memory_space<hbm>>
        tpu.enqueue_dma source(%arg9 : memref<3136xi32, #tpu.memory_space<vmem>>) target(%dma_start3A_33 : memref<3136xi32, #tpu.memory_space<hbm>>) target_semaphore(%run_scoped3A : memref<!tpu.dma_semaphore, #tpu.memory_space<semaphore_mem>>)
        %dma_wait3A_34 = tpu.memref_slice %arg5[%add3A_20] : memref<802816xi32, #tpu.memory_space<hbm>> -> memref<3136xi32, #tpu.memory_space<hbm>>
        %dma_wait3A_35 = tpu.memref_slice %arg5[%add3A_20] : memref<802816xi32, #tpu.memory_space<hbm>> -> memref<3136xi32, #tpu.memory_space<hbm>>
        tpu.wait_dma2 semaphore(%run_scoped3A : memref<!tpu.dma_semaphore, #tpu.memory_space<semaphore_mem>>) src(%arg9 : memref<3136xi32, #tpu.memory_space<vmem>>) dst(%dma_wait3A_35 : memref<3136xi32, #tpu.memory_space<hbm>>)
        tpu.yield
      }) : () -> ()
    }
    %while3A_11 = arith.constant 1 : i32
    scf.for %while3A_15 = %while3A_9 to %while3A_5 step %while3A_11  : i32 {
      %mul3A_16 = arith.constant 25088 : i32
      %mul3A_17 = arith.muli %add3A, %mul3A_16 : i32
      %mul3A_18 = arith.constant 3136 : i32
      %mul3A_19 = arith.muli %while3A_15, %mul3A_18 : i32
      %add3A_20 = arith.addi %mul3A_17, %mul3A_19 : i32
      %dma_start3A = tpu.memref_slice %arg2[%add3A_20] : memref<800000xi32, #tpu.memory_space<hbm>> -> memref<3136xi32, #tpu.memory_space<hbm>>
      %dma_start3A_21 = tpu.memref_slice %arg2[%add3A_20] : memref<800000xi32, #tpu.memory_space<hbm>> -> memref<3136xi32, #tpu.memory_space<hbm>>
      tpu.enqueue_dma source(%dma_start3A_21 : memref<3136xi32, #tpu.memory_space<hbm>>) target(%arg7 : memref<3136xi32, #tpu.memory_space<vmem>>) target_semaphore(%arg10 : memref<!tpu.dma_semaphore, #tpu.memory_space<semaphore_mem>>)
      %dma_start3A_22 = tpu.memref_slice %arg3[%add3A_20] : memref<800000xi32, #tpu.memory_space<hbm>> -> memref<3136xi32, #tpu.memory_space<hbm>>
      %dma_start3A_23 = tpu.memref_slice %arg3[%add3A_20] : memref<800000xi32, #tpu.memory_space<hbm>> -> memref<3136xi32, #tpu.memory_space<hbm>>
      tpu.enqueue_dma source(%dma_start3A_23 : memref<3136xi32, #tpu.memory_space<hbm>>) target(%arg8 : memref<3136xi32, #tpu.memory_space<vmem>>) target_semaphore(%arg11 : memref<!tpu.dma_semaphore, #tpu.memory_space<semaphore_mem>>)
      %dma_wait3A = tpu.memref_slice %arg2[%add3A_20] : memref<800000xi32, #tpu.memory_space<hbm>> -> memref<3136xi32, #tpu.memory_space<hbm>>
      %dma_wait3A_24 = tpu.memref_slice %arg2[%add3A_20] : memref<800000xi32, #tpu.memory_space<hbm>> -> memref<3136xi32, #tpu.memory_space<hbm>>
      tpu.wait_dma2 semaphore(%arg10 : memref<!tpu.dma_semaphore, #tpu.memory_space<semaphore_mem>>) src(%dma_wait3A_24 : memref<3136xi32, #tpu.memory_space<hbm>>) dst(%arg7 : memref<3136xi32, #tpu.memory_space<vmem>>)
      %dma_wait3A_25 = tpu.memref_slice %arg3[%add3A_20] : memref<800000xi32, #tpu.memory_space<hbm>> -> memref<3136xi32, #tpu.memory_space<hbm>>
      %dma_wait3A_26 = tpu.memref_slice %arg3[%add3A_20] : memref<800000xi32, #tpu.memory_space<hbm>> -> memref<3136xi32, #tpu.memory_space<hbm>>
      tpu.wait_dma2 semaphore(%arg11 : memref<!tpu.dma_semaphore, #tpu.memory_space<semaphore_mem>>) src(%dma_wait3A_26 : memref<3136xi32, #tpu.memory_space<hbm>>) dst(%arg8 : memref<3136xi32, #tpu.memory_space<vmem>>)
      %scan3A = arith.constant 0 : i32
      %scan3A_27 = arith.constant 0 : i32
      %scan3A_28 = arith.constant 196 : i32
      %scan3A_29 = arith.addi %scan3A_27, %scan3A_28 : i32
      %scan3A_30 = arith.constant 1 : i32
      scf.for %scan3A_32 = %scan3A_27 to %scan3A_29 step %scan3A_30  : i32 {
        %mul3A_33 = arith.constant 16 : i32
        %mul3A_34 = arith.muli %scan3A_32, %mul3A_33 : i32
        %get3A = arith.index_cast %mul3A_34 : i32 to index
        %get3A_35 = tpu.vector_load %arg7[%get3A] {strides = array<i32>} : memref<3136xi32, #tpu.memory_space<vmem>>, vector<16xi32>,
        %jit3A_36 = arith.constant 0 : i32
        %jit3A_37 = arith.constant 49999 : i32
        %max3A = vector.broadcast %jit3A_36 : i32 to vector<16xi32>
        %max3A_38 = arith.maxsi %max3A, %get3A_35 : vector<16xi32>
        %min3A = vector.broadcast %jit3A_37 : i32 to vector<16xi32>
        %min3A_39 = arith.minsi %min3A, %max3A_38 : vector<16xi32>
        %mul3A_40 = arith.constant 16 : i32
        %mul3A_41 = arith.muli %scan3A_32, %mul3A_40 : i32
        %get3A_42 = arith.index_cast %mul3A_41 : i32 to index
        %get3A_43 = tpu.vector_load %arg8[%get3A_42] {strides = array<i32>} : memref<3136xi32, #tpu.memory_space<vmem>>, vector<16xi32>,
        %jit3A_44 = arith.constant 0 : i32
        %jit3A_45 = arith.constant 49999 : i32
        %max3A_46 = vector.broadcast %jit3A_44 : i32 to vector<16xi32>
        %max3A_47 = arith.maxsi %max3A_46, %get3A_43 : vector<16xi32>
        %min3A_48 = vector.broadcast %jit3A_45 : i32 to vector<16xi32>
        %min3A_49 = arith.minsi %min3A_48, %max3A_47 : vector<16xi32>
        %gather3A = tpu.vector_load_idx %arg6[%min3A_39] : memref<50000xi32, #tpu.memory_space<vmem>>[vector<16xi32>], vector<16xi32>,
        %gather3A_50 = tpu.vector_load_idx %arg6[%min3A_49] : memref<50000xi32, #tpu.memory_space<vmem>>[vector<16xi32>], vector<16xi32>,
        %min3A_51 = arith.minsi %gather3A, %gather3A_50 : vector<16xi32>
        %jit3A_52 = arith.constant 0 : i32
        %jit3A_53 = arith.constant 10 : i32
        %max3A_54 = vector.broadcast %jit3A_52 : i32 to vector<16xi32>
        %max3A_55 = arith.maxsi %max3A_54, %min3A_51 : vector<16xi32>
        %min3A_56 = vector.broadcast %jit3A_53 : i32 to vector<16xi32>
        %min3A_57 = arith.minsi %min3A_56, %max3A_55 : vector<16xi32>
        %lt3A = arith.cmpi slt, %gather3A, %gather3A_50 : vector<16xi32>
        %gt3A = arith.cmpi sgt, %gather3A, %gather3A_50 : vector<16xi32>
        %jit3A_58 = arith.constant 0 : i32
        %jit3A_59 = arith.constant 2 : i32
        %broadcast_in_dim3A = vector.broadcast %jit3A_58 : i32 to vector<16xi32>
        %broadcast_in_dim3A_60 = vector.broadcast %jit3A_59 : i32 to vector<16xi32>
        %select_n3A_61 = arith.select %gt3A, %broadcast_in_dim3A, %broadcast_in_dim3A_60 : vector<16xi1>, vector<16xi32>
        %jit3A_62 = arith.constant 1 : i32
        %broadcast_in_dim3A_63 = vector.broadcast %jit3A_62 : i32 to vector<16xi32>
        %select_n3A_64 = arith.select %lt3A, %broadcast_in_dim3A_63, %select_n3A_61 : vector<16xi1>, vector<16xi32>
        %mul3A_65 = arith.constant 3 : i32
        %mul3A_66 = vector.broadcast %mul3A_65 : i32 to vector<16xi32>
        %mul3A_67 = arith.muli %min3A_57, %mul3A_66 : vector<16xi32>
        %add3A_68 = arith.addi %mul3A_67, %select_n3A_64 : vector<16xi32>
        %mul3A_69 = arith.constant 16 : i32
        %mul3A_70 = arith.muli %scan3A_32, %mul3A_69 : i32
        %swap3A = arith.index_cast %mul3A_70 : i32 to index
        %swap3A_71 = tpu.vector_load %arg9[%swap3A] {strides = array<i32>} : memref<3136xi32, #tpu.memory_space<vmem>>, vector<16xi32>,
        tpu.vector_store %arg9[%swap3A], %add3A_68 {strides = array<i32>} : memref<3136xi32, #tpu.memory_space<vmem>>, vector<16xi32>,
      }
      %scan3A_31 = arith.constant 196 : i32
      "tpu.region"() ({
        %run_scoped3A = tpu.sem_alloc : memref<!tpu.dma_semaphore, #tpu.memory_space<semaphore_mem>>
        %dma_start3A_32 = tpu.memref_slice %arg5[%add3A_20] : memref<802816xi32, #tpu.memory_space<hbm>> -> memref<3136xi32, #tpu.memory_space<hbm>>
        %dma_start3A_33 = tpu.memref_slice %arg5[%add3A_20] : memref<802816xi32, #tpu.memory_space<hbm>> -> memref<3136xi32, #tpu.memory_space<hbm>>
        tpu.enqueue_dma source(%arg9 : memref<3136xi32, #tpu.memory_space<vmem>>) target(%dma_start3A_33 : memref<3136xi32, #tpu.memory_space<hbm>>) target_semaphore(%run_scoped3A : memref<!tpu.dma_semaphore, #tpu.memory_space<semaphore_mem>>)
        %dma_wait3A_34 = tpu.memref_slice %arg5[%add3A_20] : memref<802816xi32, #tpu.memory_space<hbm>> -> memref<3136xi32, #tpu.memory_space<hbm>>
        %dma_wait3A_35 = tpu.memref_slice %arg5[%add3A_20] : memref<802816xi32, #tpu.memory_space<hbm>> -> memref<3136xi32, #tpu.memory_space<hbm>>
        tpu.wait_dma2 semaphore(%run_scoped3A : memref<!tpu.dma_semaphore, #tpu.memory_space<semaphore_mem>>) src(%arg9 : memref<3136xi32, #tpu.memory_space<vmem>>) dst(%dma_wait3A_35 : memref<3136xi32, #tpu.memory_space<hbm>>)
        tpu.yield
      }) : () -> ()
    }
    %eq3A_12 = arith.constant 31 : i32
    %eq3A_13 = arith.cmpi eq, %add3A, %eq3A_12 : i32
    %convert_element_type3A = arith.extui %eq3A_13 : i1 to i32
    %cond3A = arith.constant 0 : i32
    %cond3A_14 = arith.cmpi ne, %convert_element_type3A, %cond3A : i32
    scf.if %cond3A_14 {
      "tpu.region"() ({
        %run_scoped3A = tpu.sem_alloc : memref<!tpu.dma_semaphore, #tpu.memory_space<semaphore_mem>>
        %dma_start3A = arith.constant 0 : i32
        %dma_start3A_27 = tpu.memref_slice %arg7[%dma_start3A] : memref<3136xi32, #tpu.memory_space<vmem>> -> memref<320xi32, #tpu.memory_space<vmem>>
        %dma_start3A_28 = arith.constant 799680 : i32
        %dma_start3A_29 = tpu.memref_slice %arg2[%dma_start3A_28] : memref<800000xi32, #tpu.memory_space<hbm>> -> memref<320xi32, #tpu.memory_space<hbm>>
        %dma_start3A_30 = arith.constant 0 : i32
        %dma_start3A_31 = tpu.memref_slice %arg7[%dma_start3A_30] : memref<3136xi32, #tpu.memory_space<vmem>> -> memref<320xi32, #tpu.memory_space<vmem>>
        %dma_start3A_32 = arith.constant 799680 : i32
        %dma_start3A_33 = tpu.memref_slice %arg2[%dma_start3A_32] : memref<800000xi32, #tpu.memory_space<hbm>> -> memref<320xi32, #tpu.memory_space<hbm>>
        tpu.enqueue_dma source(%dma_start3A_33 : memref<320xi32, #tpu.memory_space<hbm>>) target(%dma_start3A_31 : memref<320xi32, #tpu.memory_space<vmem>>) target_semaphore(%run_scoped3A : memref<!tpu.dma_semaphore, #tpu.memory_space<semaphore_mem>>)
        %dma_wait3A = arith.constant 0 : i32
        %dma_wait3A_34 = tpu.memref_slice %arg7[%dma_wait3A] : memref<3136xi32, #tpu.memory_space<vmem>> -> memref<320xi32, #tpu.memory_space<vmem>>
        %dma_wait3A_35 = arith.constant 799680 : i32
        %dma_wait3A_36 = tpu.memref_slice %arg2[%dma_wait3A_35] : memref<800000xi32, #tpu.memory_space<hbm>> -> memref<320xi32, #tpu.memory_space<hbm>>
        %dma_wait3A_37 = arith.constant 0 : i32
        %dma_wait3A_38 = tpu.memref_slice %arg7[%dma_wait3A_37] : memref<3136xi32, #tpu.memory_space<vmem>> -> memref<320xi32, #tpu.memory_space<vmem>>
        %dma_wait3A_39 = arith.constant 799680 : i32
        %dma_wait3A_40 = tpu.memref_slice %arg2[%dma_wait3A_39] : memref<800000xi32, #tpu.memory_space<hbm>> -> memref<320xi32, #tpu.memory_space<hbm>>
        tpu.wait_dma2 semaphore(%run_scoped3A : memref<!tpu.dma_semaphore, #tpu.memory_space<semaphore_mem>>) src(%dma_wait3A_40 : memref<320xi32, #tpu.memory_space<hbm>>) dst(%dma_wait3A_38 : memref<320xi32, #tpu.memory_space<vmem>>)
        tpu.yield
      }) : () -> ()
      "tpu.region"() ({
        %run_scoped3A = tpu.sem_alloc : memref<!tpu.dma_semaphore, #tpu.memory_space<semaphore_mem>>
        %dma_start3A = arith.constant 0 : i32
        %dma_start3A_27 = tpu.memref_slice %arg8[%dma_start3A] : memref<3136xi32, #tpu.memory_space<vmem>> -> memref<320xi32, #tpu.memory_space<vmem>>
        %dma_start3A_28 = arith.constant 799680 : i32
        %dma_start3A_29 = tpu.memref_slice %arg3[%dma_start3A_28] : memref<800000xi32, #tpu.memory_space<hbm>> -> memref<320xi32, #tpu.memory_space<hbm>>
        %dma_start3A_30 = arith.constant 0 : i32
        %dma_start3A_31 = tpu.memref_slice %arg8[%dma_start3A_30] : memref<3136xi32, #tpu.memory_space<vmem>> -> memref<320xi32, #tpu.memory_space<vmem>>
        %dma_start3A_32 = arith.constant 799680 : i32
        %dma_start3A_33 = tpu.memref_slice %arg3[%dma_start3A_32] : memref<800000xi32, #tpu.memory_space<hbm>> -> memref<320xi32, #tpu.memory_space<hbm>>
        tpu.enqueue_dma source(%dma_start3A_33 : memref<320xi32, #tpu.memory_space<hbm>>) target(%dma_start3A_31 : memref<320xi32, #tpu.memory_space<vmem>>) target_semaphore(%run_scoped3A : memref<!tpu.dma_semaphore, #tpu.memory_space<semaphore_mem>>)
        %dma_wait3A = arith.constant 0 : i32
        %dma_wait3A_34 = tpu.memref_slice %arg8[%dma_wait3A] : memref<3136xi32, #tpu.memory_space<vmem>> -> memref<320xi32, #tpu.memory_space<vmem>>
        %dma_wait3A_35 = arith.constant 799680 : i32
        %dma_wait3A_36 = tpu.memref_slice %arg3[%dma_wait3A_35] : memref<800000xi32, #tpu.memory_space<hbm>> -> memref<320xi32, #tpu.memory_space<hbm>>
        %dma_wait3A_37 = arith.constant 0 : i32
        %dma_wait3A_38 = tpu.memref_slice %arg8[%dma_wait3A_37] : memref<3136xi32, #tpu.memory_space<vmem>> -> memref<320xi32, #tpu.memory_space<vmem>>
        %dma_wait3A_39 = arith.constant 799680 : i32
        %dma_wait3A_40 = tpu.memref_slice %arg3[%dma_wait3A_39] : memref<800000xi32, #tpu.memory_space<hbm>> -> memref<320xi32, #tpu.memory_space<hbm>>
        tpu.wait_dma2 semaphore(%run_scoped3A : memref<!tpu.dma_semaphore, #tpu.memory_space<semaphore_mem>>) src(%dma_wait3A_40 : memref<320xi32, #tpu.memory_space<hbm>>) dst(%dma_wait3A_38 : memref<320xi32, #tpu.memory_space<vmem>>)
        tpu.yield
      }) : () -> ()
      %scan3A = arith.constant 0 : i32
      %scan3A_15 = arith.constant 0 : i32
      %scan3A_16 = arith.constant 20 : i32
      %scan3A_17 = arith.addi %scan3A_15, %scan3A_16 : i32
      %scan3A_18 = arith.constant 1 : i32
      scf.for %scan3A_27 = %scan3A_15 to %scan3A_17 step %scan3A_18  : i32 {
        %mul3A_28 = arith.constant 16 : i32
        %mul3A_29 = arith.muli %scan3A_27, %mul3A_28 : i32
        %get3A = arith.index_cast %mul3A_29 : i32 to index
        %get3A_30 = tpu.vector_load %arg7[%get3A] {strides = array<i32>} : memref<3136xi32, #tpu.memory_space<vmem>>, vector<16xi32>,
        %jit3A_31 = arith.constant 0 : i32
        %jit3A_32 = arith.constant 49999 : i32
        %max3A = vector.broadcast %jit3A_31 : i32 to vector<16xi32>
        %max3A_33 = arith.maxsi %max3A, %get3A_30 : vector<16xi32>
        %min3A = vector.broadcast %jit3A_32 : i32 to vector<16xi32>
        %min3A_34 = arith.minsi %min3A, %max3A_33 : vector<16xi32>
        %mul3A_35 = arith.constant 16 : i32
        %mul3A_36 = arith.muli %scan3A_27, %mul3A_35 : i32
        %get3A_37 = arith.index_cast %mul3A_36 : i32 to index
        %get3A_38 = tpu.vector_load %arg8[%get3A_37] {strides = array<i32>} : memref<3136xi32, #tpu.memory_space<vmem>>, vector<16xi32>,
        %jit3A_39 = arith.constant 0 : i32
        %jit3A_40 = arith.constant 49999 : i32
        %max3A_41 = vector.broadcast %jit3A_39 : i32 to vector<16xi32>
        %max3A_42 = arith.maxsi %max3A_41, %get3A_38 : vector<16xi32>
        %min3A_43 = vector.broadcast %jit3A_40 : i32 to vector<16xi32>
        %min3A_44 = arith.minsi %min3A_43, %max3A_42 : vector<16xi32>
        %gather3A = tpu.vector_load_idx %arg6[%min3A_34] : memref<50000xi32, #tpu.memory_space<vmem>>[vector<16xi32>], vector<16xi32>,
        %gather3A_45 = tpu.vector_load_idx %arg6[%min3A_44] : memref<50000xi32, #tpu.memory_space<vmem>>[vector<16xi32>], vector<16xi32>,
        %min3A_46 = arith.minsi %gather3A, %gather3A_45 : vector<16xi32>
        %jit3A_47 = arith.constant 0 : i32
        %jit3A_48 = arith.constant 10 : i32
        %max3A_49 = vector.broadcast %jit3A_47 : i32 to vector<16xi32>
        %max3A_50 = arith.maxsi %max3A_49, %min3A_46 : vector<16xi32>
        %min3A_51 = vector.broadcast %jit3A_48 : i32 to vector<16xi32>
        %min3A_52 = arith.minsi %min3A_51, %max3A_50 : vector<16xi32>
        %lt3A = arith.cmpi slt, %gather3A, %gather3A_45 : vector<16xi32>
        %gt3A = arith.cmpi sgt, %gather3A, %gather3A_45 : vector<16xi32>
        %jit3A_53 = arith.constant 0 : i32
        %jit3A_54 = arith.constant 2 : i32
        %broadcast_in_dim3A_55 = vector.broadcast %jit3A_53 : i32 to vector<16xi32>
        %broadcast_in_dim3A_56 = vector.broadcast %jit3A_54 : i32 to vector<16xi32>
        %select_n3A_57 = arith.select %gt3A, %broadcast_in_dim3A_55, %broadcast_in_dim3A_56 : vector<16xi1>, vector<16xi32>
        %jit3A_58 = arith.constant 1 : i32
        %broadcast_in_dim3A_59 = vector.broadcast %jit3A_58 : i32 to vector<16xi32>
        %select_n3A_60 = arith.select %lt3A, %broadcast_in_dim3A_59, %select_n3A_57 : vector<16xi1>, vector<16xi32>
        %mul3A_61 = arith.constant 3 : i32
        %mul3A_62 = vector.broadcast %mul3A_61 : i32 to vector<16xi32>
        %mul3A_63 = arith.muli %min3A_52, %mul3A_62 : vector<16xi32>
        %add3A_64 = arith.addi %mul3A_63, %select_n3A_60 : vector<16xi32>
        %mul3A_65 = arith.constant 16 : i32
        %mul3A_66 = arith.muli %scan3A_27, %mul3A_65 : i32
        %swap3A = arith.index_cast %mul3A_66 : i32 to index
        %swap3A_67 = tpu.vector_load %arg9[%swap3A] {strides = array<i32>} : memref<3136xi32, #tpu.memory_space<vmem>>, vector<16xi32>,
        tpu.vector_store %arg9[%swap3A], %add3A_64 {strides = array<i32>} : memref<3136xi32, #tpu.memory_space<vmem>>, vector<16xi32>,
      }
      %scan3A_19 = arith.constant 20 : i32
      %broadcast_in_dim3A = arith.constant 0 : i32
      %broadcast_in_dim3A_20 = vector.broadcast %broadcast_in_dim3A : i32 to vector<16xi32>
      %scan3A_21 = arith.constant 0 : i32
      %scan3A_22 = arith.constant 20 : i32
      %scan3A_23 = arith.constant 176 : i32
      %scan3A_24 = arith.addi %scan3A_22, %scan3A_23 : i32
      %scan3A_25 = arith.constant 1 : i32
      scf.for %scan3A_27 = %scan3A_22 to %scan3A_24 step %scan3A_25  : i32 {
        %mul3A_28 = arith.constant 16 : i32
        %mul3A_29 = arith.muli %scan3A_27, %mul3A_28 : i32
        %swap3A = arith.index_cast %mul3A_29 : i32 to index
        %swap3A_30 = tpu.vector_load %arg9[%swap3A] {strides = array<i32>} : memref<3136xi32, #tpu.memory_space<vmem>>, vector<16xi32>,
        tpu.vector_store %arg9[%swap3A], %broadcast_in_dim3A_20 {strides = array<i32>} : memref<3136xi32, #tpu.memory_space<vmem>>, vector<16xi32>,
      }
      %scan3A_26 = arith.constant 176 : i32
      "tpu.region"() ({
        %run_scoped3A = tpu.sem_alloc : memref<!tpu.dma_semaphore, #tpu.memory_space<semaphore_mem>>
        %dma_start3A = arith.constant 799680 : i32
        %dma_start3A_27 = tpu.memref_slice %arg5[%dma_start3A] : memref<802816xi32, #tpu.memory_space<hbm>> -> memref<3136xi32, #tpu.memory_space<hbm>>
        %dma_start3A_28 = arith.constant 799680 : i32
        %dma_start3A_29 = tpu.memref_slice %arg5[%dma_start3A_28] : memref<802816xi32, #tpu.memory_space<hbm>> -> memref<3136xi32, #tpu.memory_space<hbm>>
        tpu.enqueue_dma source(%arg9 : memref<3136xi32, #tpu.memory_space<vmem>>) target(%dma_start3A_29 : memref<3136xi32, #tpu.memory_space<hbm>>) target_semaphore(%run_scoped3A : memref<!tpu.dma_semaphore, #tpu.memory_space<semaphore_mem>>)
        %dma_wait3A = arith.constant 799680 : i32
        %dma_wait3A_30 = tpu.memref_slice %arg5[%dma_wait3A] : memref<802816xi32, #tpu.memory_space<hbm>> -> memref<3136xi32, #tpu.memory_space<hbm>>
        %dma_wait3A_31 = arith.constant 799680 : i32
        %dma_wait3A_32 = tpu.memref_slice %arg5[%dma_wait3A_31] : memref<802816xi32, #tpu.memory_space<hbm>> -> memref<3136xi32, #tpu.memory_space<hbm>>
        tpu.wait_dma2 semaphore(%run_scoped3A : memref<!tpu.dma_semaphore, #tpu.memory_space<semaphore_mem>>) src(%arg9 : memref<3136xi32, #tpu.memory_space<vmem>>) dst(%dma_wait3A_32 : memref<3136xi32, #tpu.memory_space<hbm>>)
        tpu.yield
      }) : () -> ()
    } else {
    }
    return
  }
}

module attributes {stable_mosaic.version = 14 : i64} {
  func.func @_split_body(%arg0: i32, %arg1: memref<2x65536xi32, #tpu.memory_space<vmem>>, %arg2: memref<65536xi32, #tpu.memory_space<vmem>>, %arg3: memref<65536xi32, #tpu.memory_space<vmem>>) attributes {dimension_semantics = [#tpu.dimension_semantics<arbitrary>], iteration_bounds = array<i64: 13>, scalar_prefetch = 0 : i64, scratch_operands = 0 : i64, tpu.core_type = #tpu.core_type<tc>, window_params = [{transform_indices = @transform_0, window_bounds = array<i64: 2, 65536>}, {transform_indices = @transform_1, window_bounds = array<i64: 65536>}, {transform_indices = @transform_2, window_bounds = array<i64: 65536>}]} {
    %get3A = arith.constant 0 : index
    %get3A_0 = arith.constant 0 : index
    %get3A_1 = vector.load %arg1[%get3A, %get3A_0] : memref<2x65536xi32, #tpu.memory_space<vmem>>, vector<1x65536xi32>
    %get3A_2 = vector.shape_cast %get3A_1 : vector<1x65536xi32> to vector<65536xi32>
    %swap3A = arith.constant 0 : index
    %swap3A_3 = vector.load %arg2[%swap3A] : memref<65536xi32, #tpu.memory_space<vmem>>, vector<65536xi32>
    tpu.vector_store %arg2[%swap3A], %get3A_2 {strides = array<i32>} : memref<65536xi32, #tpu.memory_space<vmem>>, vector<65536xi32>,
    %get3A_4 = arith.constant 1 : index
    %get3A_5 = arith.constant 0 : index
    %get3A_6 = vector.load %arg1[%get3A_4, %get3A_5] : memref<2x65536xi32, #tpu.memory_space<vmem>>, vector<1x65536xi32>
    %get3A_7 = vector.shape_cast %get3A_6 : vector<1x65536xi32> to vector<65536xi32>
    %swap3A_8 = arith.constant 0 : index
    %swap3A_9 = vector.load %arg3[%swap3A_8] : memref<65536xi32, #tpu.memory_space<vmem>>, vector<65536xi32>
    tpu.vector_store %arg3[%swap3A_8], %get3A_7 {strides = array<i32>} : memref<65536xi32, #tpu.memory_space<vmem>>, vector<65536xi32>,
    return
  }
  func.func @transform_0(%arg0: i32) -> (i32, i32) {
    %c0_i32 = arith.constant 0 : i32
    %c0_i32_0 = arith.constant 0 : i32
    return %c0_i32, %arg0 : i32, i32
  }
  func.func @transform_1(%arg0: i32) -> i32 {
    %c0_i32 = arith.constant 0 : i32
    return %arg0 : i32
  }
  func.func @transform_2(%arg0: i32) -> i32 {
    %c0_i32 = arith.constant 0 : i32
    return %arg0 : i32
  }
}

module attributes {stable_mosaic.version = 14 : i64} {
  func.func @_expand_body(%arg0: i32, %arg1: memref<1x8x2048xi32, #tpu.memory_space<vmem>>, %arg2: memref<64x33xf32, #tpu.memory_space<vmem>>, %arg3: memref<64x16384xf32, #tpu.memory_space<vmem>>) attributes {dimension_semantics = [#tpu.dimension_semantics<arbitrary>], iteration_bounds = array<i64: 49>, scalar_prefetch = 0 : i64, scratch_operands = 0 : i64, tpu.core_type = #tpu.core_type<tc>, window_params = [{transform_indices = @transform_0, window_bounds = array<i64: 1, 8, 2048>}, {pipeline_mode = #tpu.pipeline_mode<synchronous>, transform_indices = @transform_1, window_bounds = array<i64: 64, 33>}, {transform_indices = @transform_2, window_bounds = array<i64: 64, 16384>}]} {
    %get3A = arith.constant 0 : index
    %get3A_0 = arith.constant 0 : index
    %get3A_1 = arith.constant 0 : index
    %get3A_2 = vector.load %arg1[%get3A, %get3A_0, %get3A_1] : memref<1x8x2048xi32, #tpu.memory_space<vmem>>, vector<1x8x2048xi32>
    %get3A_3 = vector.shape_cast %get3A_2 : vector<1x8x2048xi32> to vector<8x2048xi32>
    %get3A_4 = arith.constant 0 : index
    %get3A_5 = arith.constant 0 : index
    %get3A_6 = vector.load %arg2[%get3A_4, %get3A_5] : memref<64x33xf32, #tpu.memory_space<vmem>>, vector<64x33xf32>
    %slice3A = vector.extract_strided_slice %get3A_3 {offsets = [0, 0], sizes = [1, 2048], strides = [1, 1]} : vector<8x2048xi32> to vector<1x2048xi32>
    %broadcast_in_dim3A = vector.shape_cast %slice3A : vector<1x2048xi32> to vector<1x2048xi32>
    %broadcast_in_dim3A_7 = vector.broadcast %broadcast_in_dim3A : vector<1x2048xi32> to vector<64x2048xi32>
    %lt3A = arith.constant 0 : i32
    %lt3A_8 = vector.broadcast %lt3A : i32 to vector<64x2048xi32>
    %lt3A_9 = arith.cmpi slt, %broadcast_in_dim3A_7, %lt3A_8 : vector<64x2048xi32>
    %add3A = arith.constant 33 : i32
    %add3A_10 = vector.broadcast %add3A : i32 to vector<64x2048xi32>
    %add3A_11 = arith.addi %broadcast_in_dim3A_7, %add3A_10 : vector<64x2048xi32>
    %select_n3A = arith.select %lt3A_9, %add3A_11, %broadcast_in_dim3A_7 : vector<64x2048xi1>, vector<64x2048xi32>
    %reshape3A = vector.shape_cast %select_n3A : vector<64x2048xi32> to vector<64x2048x1xi32>
    %gather3A = vector.shape_cast %reshape3A : vector<64x2048x1xi32> to vector<64x2048xi32>
    %gather3A_12 = tpu.dynamic_gather %get3A_6[%gather3A] in [1] : vector<64x33xf32>, vector<64x2048xi32> -> vector<64x2048xf32>
    %swap3A = arith.constant 0 : index
    %swap3A_13 = arith.constant 0 : index
    %swap3A_14 = vector.load %arg3[%swap3A, %swap3A_13] : memref<64x16384xf32, #tpu.memory_space<vmem>>, vector<64x2048xf32>
    tpu.vector_store %arg3[%swap3A, %swap3A_13], %gather3A_12 {strides = array<i32>} : memref<64x16384xf32, #tpu.memory_space<vmem>>, vector<64x2048xf32>,
    %slice3A_15 = vector.extract_strided_slice %get3A_3 {offsets = [1, 0], sizes = [1, 2048], strides = [1, 1]} : vector<8x2048xi32> to vector<1x2048xi32>
    %broadcast_in_dim3A_16 = vector.shape_cast %slice3A_15 : vector<1x2048xi32> to vector<1x2048xi32>
    %broadcast_in_dim3A_17 = vector.broadcast %broadcast_in_dim3A_16 : vector<1x2048xi32> to vector<64x2048xi32>
    %lt3A_18 = arith.constant 0 : i32
    %lt3A_19 = vector.broadcast %lt3A_18 : i32 to vector<64x2048xi32>
    %lt3A_20 = arith.cmpi slt, %broadcast_in_dim3A_17, %lt3A_19 : vector<64x2048xi32>
    %add3A_21 = arith.constant 33 : i32
    %add3A_22 = vector.broadcast %add3A_21 : i32 to vector<64x2048xi32>
    %add3A_23 = arith.addi %broadcast_in_dim3A_17, %add3A_22 : vector<64x2048xi32>
    %select_n3A_24 = arith.select %lt3A_20, %add3A_23, %broadcast_in_dim3A_17 : vector<64x2048xi1>, vector<64x2048xi32>
    %reshape3A_25 = vector.shape_cast %select_n3A_24 : vector<64x2048xi32> to vector<64x2048x1xi32>
    %gather3A_26 = vector.shape_cast %reshape3A_25 : vector<64x2048x1xi32> to vector<64x2048xi32>
    %gather3A_27 = tpu.dynamic_gather %get3A_6[%gather3A_26] in [1] : vector<64x33xf32>, vector<64x2048xi32> -> vector<64x2048xf32>
    %swap3A_28 = arith.constant 0 : index
    %swap3A_29 = arith.constant 2048 : index
    %swap3A_30 = vector.load %arg3[%swap3A_28, %swap3A_29] : memref<64x16384xf32, #tpu.memory_space<vmem>>, vector<64x2048xf32>
    tpu.vector_store %arg3[%swap3A_28, %swap3A_29], %gather3A_27 {strides = array<i32>} : memref<64x16384xf32, #tpu.memory_space<vmem>>, vector<64x2048xf32>,
    %slice3A_31 = vector.extract_strided_slice %get3A_3 {offsets = [2, 0], sizes = [1, 2048], strides = [1, 1]} : vector<8x2048xi32> to vector<1x2048xi32>
    %broadcast_in_dim3A_32 = vector.shape_cast %slice3A_31 : vector<1x2048xi32> to vector<1x2048xi32>
    %broadcast_in_dim3A_33 = vector.broadcast %broadcast_in_dim3A_32 : vector<1x2048xi32> to vector<64x2048xi32>
    %lt3A_34 = arith.constant 0 : i32
    %lt3A_35 = vector.broadcast %lt3A_34 : i32 to vector<64x2048xi32>
    %lt3A_36 = arith.cmpi slt, %broadcast_in_dim3A_33, %lt3A_35 : vector<64x2048xi32>
    %add3A_37 = arith.constant 33 : i32
    %add3A_38 = vector.broadcast %add3A_37 : i32 to vector<64x2048xi32>
    %add3A_39 = arith.addi %broadcast_in_dim3A_33, %add3A_38 : vector<64x2048xi32>
    %select_n3A_40 = arith.select %lt3A_36, %add3A_39, %broadcast_in_dim3A_33 : vector<64x2048xi1>, vector<64x2048xi32>
    %reshape3A_41 = vector.shape_cast %select_n3A_40 : vector<64x2048xi32> to vector<64x2048x1xi32>
    %gather3A_42 = vector.shape_cast %reshape3A_41 : vector<64x2048x1xi32> to vector<64x2048xi32>
    %gather3A_43 = tpu.dynamic_gather %get3A_6[%gather3A_42] in [1] : vector<64x33xf32>, vector<64x2048xi32> -> vector<64x2048xf32>
    %swap3A_44 = arith.constant 0 : index
    %swap3A_45 = arith.constant 4096 : index
    %swap3A_46 = vector.load %arg3[%swap3A_44, %swap3A_45] : memref<64x16384xf32, #tpu.memory_space<vmem>>, vector<64x2048xf32>
    tpu.vector_store %arg3[%swap3A_44, %swap3A_45], %gather3A_43 {strides = array<i32>} : memref<64x16384xf32, #tpu.memory_space<vmem>>, vector<64x2048xf32>,
    %slice3A_47 = vector.extract_strided_slice %get3A_3 {offsets = [3, 0], sizes = [1, 2048], strides = [1, 1]} : vector<8x2048xi32> to vector<1x2048xi32>
    %broadcast_in_dim3A_48 = vector.shape_cast %slice3A_47 : vector<1x2048xi32> to vector<1x2048xi32>
    %broadcast_in_dim3A_49 = vector.broadcast %broadcast_in_dim3A_48 : vector<1x2048xi32> to vector<64x2048xi32>
    %lt3A_50 = arith.constant 0 : i32
    %lt3A_51 = vector.broadcast %lt3A_50 : i32 to vector<64x2048xi32>
    %lt3A_52 = arith.cmpi slt, %broadcast_in_dim3A_49, %lt3A_51 : vector<64x2048xi32>
    %add3A_53 = arith.constant 33 : i32
    %add3A_54 = vector.broadcast %add3A_53 : i32 to vector<64x2048xi32>
    %add3A_55 = arith.addi %broadcast_in_dim3A_49, %add3A_54 : vector<64x2048xi32>
    %select_n3A_56 = arith.select %lt3A_52, %add3A_55, %broadcast_in_dim3A_49 : vector<64x2048xi1>, vector<64x2048xi32>
    %reshape3A_57 = vector.shape_cast %select_n3A_56 : vector<64x2048xi32> to vector<64x2048x1xi32>
    %gather3A_58 = vector.shape_cast %reshape3A_57 : vector<64x2048x1xi32> to vector<64x2048xi32>
    %gather3A_59 = tpu.dynamic_gather %get3A_6[%gather3A_58] in [1] : vector<64x33xf32>, vector<64x2048xi32> -> vector<64x2048xf32>
    %swap3A_60 = arith.constant 0 : index
    %swap3A_61 = arith.constant 6144 : index
    %swap3A_62 = vector.load %arg3[%swap3A_60, %swap3A_61] : memref<64x16384xf32, #tpu.memory_space<vmem>>, vector<64x2048xf32>
    tpu.vector_store %arg3[%swap3A_60, %swap3A_61], %gather3A_59 {strides = array<i32>} : memref<64x16384xf32, #tpu.memory_space<vmem>>, vector<64x2048xf32>,
    %slice3A_63 = vector.extract_strided_slice %get3A_3 {offsets = [4, 0], sizes = [1, 2048], strides = [1, 1]} : vector<8x2048xi32> to vector<1x2048xi32>
    %broadcast_in_dim3A_64 = vector.shape_cast %slice3A_63 : vector<1x2048xi32> to vector<1x2048xi32>
    %broadcast_in_dim3A_65 = vector.broadcast %broadcast_in_dim3A_64 : vector<1x2048xi32> to vector<64x2048xi32>
    %lt3A_66 = arith.constant 0 : i32
    %lt3A_67 = vector.broadcast %lt3A_66 : i32 to vector<64x2048xi32>
    %lt3A_68 = arith.cmpi slt, %broadcast_in_dim3A_65, %lt3A_67 : vector<64x2048xi32>
    %add3A_69 = arith.constant 33 : i32
    %add3A_70 = vector.broadcast %add3A_69 : i32 to vector<64x2048xi32>
    %add3A_71 = arith.addi %broadcast_in_dim3A_65, %add3A_70 : vector<64x2048xi32>
    %select_n3A_72 = arith.select %lt3A_68, %add3A_71, %broadcast_in_dim3A_65 : vector<64x2048xi1>, vector<64x2048xi32>
    %reshape3A_73 = vector.shape_cast %select_n3A_72 : vector<64x2048xi32> to vector<64x2048x1xi32>
    %gather3A_74 = vector.shape_cast %reshape3A_73 : vector<64x2048x1xi32> to vector<64x2048xi32>
    %gather3A_75 = tpu.dynamic_gather %get3A_6[%gather3A_74] in [1] : vector<64x33xf32>, vector<64x2048xi32> -> vector<64x2048xf32>
    %swap3A_76 = arith.constant 0 : index
    %swap3A_77 = arith.constant 8192 : index
    %swap3A_78 = vector.load %arg3[%swap3A_76, %swap3A_77] : memref<64x16384xf32, #tpu.memory_space<vmem>>, vector<64x2048xf32>
    tpu.vector_store %arg3[%swap3A_76, %swap3A_77], %gather3A_75 {strides = array<i32>} : memref<64x16384xf32, #tpu.memory_space<vmem>>, vector<64x2048xf32>,
    %slice3A_79 = vector.extract_strided_slice %get3A_3 {offsets = [5, 0], sizes = [1, 2048], strides = [1, 1]} : vector<8x2048xi32> to vector<1x2048xi32>
    %broadcast_in_dim3A_80 = vector.shape_cast %slice3A_79 : vector<1x2048xi32> to vector<1x2048xi32>
    %broadcast_in_dim3A_81 = vector.broadcast %broadcast_in_dim3A_80 : vector<1x2048xi32> to vector<64x2048xi32>
    %lt3A_82 = arith.constant 0 : i32
    %lt3A_83 = vector.broadcast %lt3A_82 : i32 to vector<64x2048xi32>
    %lt3A_84 = arith.cmpi slt, %broadcast_in_dim3A_81, %lt3A_83 : vector<64x2048xi32>
    %add3A_85 = arith.constant 33 : i32
    %add3A_86 = vector.broadcast %add3A_85 : i32 to vector<64x2048xi32>
    %add3A_87 = arith.addi %broadcast_in_dim3A_81, %add3A_86 : vector<64x2048xi32>
    %select_n3A_88 = arith.select %lt3A_84, %add3A_87, %broadcast_in_dim3A_81 : vector<64x2048xi1>, vector<64x2048xi32>
    %reshape3A_89 = vector.shape_cast %select_n3A_88 : vector<64x2048xi32> to vector<64x2048x1xi32>
    %gather3A_90 = vector.shape_cast %reshape3A_89 : vector<64x2048x1xi32> to vector<64x2048xi32>
    %gather3A_91 = tpu.dynamic_gather %get3A_6[%gather3A_90] in [1] : vector<64x33xf32>, vector<64x2048xi32> -> vector<64x2048xf32>
    %swap3A_92 = arith.constant 0 : index
    %swap3A_93 = arith.constant 10240 : index
    %swap3A_94 = vector.load %arg3[%swap3A_92, %swap3A_93] : memref<64x16384xf32, #tpu.memory_space<vmem>>, vector<64x2048xf32>
    tpu.vector_store %arg3[%swap3A_92, %swap3A_93], %gather3A_91 {strides = array<i32>} : memref<64x16384xf32, #tpu.memory_space<vmem>>, vector<64x2048xf32>,
    %slice3A_95 = vector.extract_strided_slice %get3A_3 {offsets = [6, 0], sizes = [1, 2048], strides = [1, 1]} : vector<8x2048xi32> to vector<1x2048xi32>
    %broadcast_in_dim3A_96 = vector.shape_cast %slice3A_95 : vector<1x2048xi32> to vector<1x2048xi32>
    %broadcast_in_dim3A_97 = vector.broadcast %broadcast_in_dim3A_96 : vector<1x2048xi32> to vector<64x2048xi32>
    %lt3A_98 = arith.constant 0 : i32
    %lt3A_99 = vector.broadcast %lt3A_98 : i32 to vector<64x2048xi32>
    %lt3A_100 = arith.cmpi slt, %broadcast_in_dim3A_97, %lt3A_99 : vector<64x2048xi32>
    %add3A_101 = arith.constant 33 : i32
    %add3A_102 = vector.broadcast %add3A_101 : i32 to vector<64x2048xi32>
    %add3A_103 = arith.addi %broadcast_in_dim3A_97, %add3A_102 : vector<64x2048xi32>
    %select_n3A_104 = arith.select %lt3A_100, %add3A_103, %broadcast_in_dim3A_97 : vector<64x2048xi1>, vector<64x2048xi32>
    %reshape3A_105 = vector.shape_cast %select_n3A_104 : vector<64x2048xi32> to vector<64x2048x1xi32>
    %gather3A_106 = vector.shape_cast %reshape3A_105 : vector<64x2048x1xi32> to vector<64x2048xi32>
    %gather3A_107 = tpu.dynamic_gather %get3A_6[%gather3A_106] in [1] : vector<64x33xf32>, vector<64x2048xi32> -> vector<64x2048xf32>
    %swap3A_108 = arith.constant 0 : index
    %swap3A_109 = arith.constant 12288 : index
    %swap3A_110 = vector.load %arg3[%swap3A_108, %swap3A_109] : memref<64x16384xf32, #tpu.memory_space<vmem>>, vector<64x2048xf32>
    tpu.vector_store %arg3[%swap3A_108, %swap3A_109], %gather3A_107 {strides = array<i32>} : memref<64x16384xf32, #tpu.memory_space<vmem>>, vector<64x2048xf32>,
    %slice3A_111 = vector.extract_strided_slice %get3A_3 {offsets = [7, 0], sizes = [1, 2048], strides = [1, 1]} : vector<8x2048xi32> to vector<1x2048xi32>
    %broadcast_in_dim3A_112 = vector.shape_cast %slice3A_111 : vector<1x2048xi32> to vector<1x2048xi32>
    %broadcast_in_dim3A_113 = vector.broadcast %broadcast_in_dim3A_112 : vector<1x2048xi32> to vector<64x2048xi32>
    %lt3A_114 = arith.constant 0 : i32
    %lt3A_115 = vector.broadcast %lt3A_114 : i32 to vector<64x2048xi32>
    %lt3A_116 = arith.cmpi slt, %broadcast_in_dim3A_113, %lt3A_115 : vector<64x2048xi32>
    %add3A_117 = arith.constant 33 : i32
    %add3A_118 = vector.broadcast %add3A_117 : i32 to vector<64x2048xi32>
    %add3A_119 = arith.addi %broadcast_in_dim3A_113, %add3A_118 : vector<64x2048xi32>
    %select_n3A_120 = arith.select %lt3A_116, %add3A_119, %broadcast_in_dim3A_113 : vector<64x2048xi1>, vector<64x2048xi32>
    %reshape3A_121 = vector.shape_cast %select_n3A_120 : vector<64x2048xi32> to vector<64x2048x1xi32>
    %gather3A_122 = vector.shape_cast %reshape3A_121 : vector<64x2048x1xi32> to vector<64x2048xi32>
    %gather3A_123 = tpu.dynamic_gather %get3A_6[%gather3A_122] in [1] : vector<64x33xf32>, vector<64x2048xi32> -> vector<64x2048xf32>
    %swap3A_124 = arith.constant 0 : index
    %swap3A_125 = arith.constant 14336 : index
    %swap3A_126 = vector.load %arg3[%swap3A_124, %swap3A_125] : memref<64x16384xf32, #tpu.memory_space<vmem>>, vector<64x2048xf32>
    tpu.vector_store %arg3[%swap3A_124, %swap3A_125], %gather3A_123 {strides = array<i32>} : memref<64x16384xf32, #tpu.memory_space<vmem>>, vector<64x2048xf32>,
    return
  }
  func.func @transform_0(%arg0: i32) -> (i32, i32, i32) {
    %c0_i32 = arith.constant 0 : i32
    %c0_i32_0 = arith.constant 0 : i32
    %c0_i32_1 = arith.constant 0 : i32
    return %arg0, %c0_i32, %c0_i32_0 : i32, i32, i32
  }
  func.func @transform_1(%arg0: i32) -> (i32, i32) {
    %c0_i32 = arith.constant 0 : i32
    %c0_i32_0 = arith.constant 0 : i32
    %c0_i32_1 = arith.constant 0 : i32
    return %c0_i32, %c0_i32_0 : i32, i32
  }
  func.func @transform_2(%arg0: i32) -> (i32, i32) {
    %c0_i32 = arith.constant 0 : i32
    %c0_i32_0 = arith.constant 0 : i32
    return %c0_i32, %arg0 : i32, i32
  }
}

module attributes {stable_mosaic.version = 14 : i64} {
  func.func @_fused_table_body(%arg0: memref<33x11xf32, #tpu.memory_space<vmem>>, %arg1: memref<33x3xf32, #tpu.memory_space<vmem>>, %arg2: memref<11x64xf32, #tpu.memory_space<vmem>>, %arg3: memref<3x64xf32, #tpu.memory_space<vmem>>, %arg4: memref<64x64xf32, #tpu.memory_space<vmem>>, %arg5: memref<64x64xf32, #tpu.memory_space<vmem>>, %arg6: memref<1x64xf32, #tpu.memory_space<vmem>>, %arg7: memref<33x64xf32, #tpu.memory_space<vmem>>) attributes {dimension_semantics = [], scalar_prefetch = 0 : i64, scratch_operands = 0 : i64, tpu.core_type = #tpu.core_type<tc>} {
    %get3A = arith.constant 0 : index
    %get3A_0 = arith.constant 0 : index
    %get3A_1 = vector.load %arg0[%get3A, %get3A_0] : memref<33x11xf32, #tpu.memory_space<vmem>>, vector<33x11xf32>
    %get3A_2 = arith.constant 0 : index
    %get3A_3 = arith.constant 0 : index
    %get3A_4 = vector.load %arg2[%get3A_2, %get3A_3] : memref<11x64xf32, #tpu.memory_space<vmem>>, vector<11x64xf32>
    %dot_general3A = arith.constant dense<0.000000e+00> : vector<33x64xf32>
    %dot_general3A_5 = tpu.matmul %get3A_1, %get3A_4, %dot_general3A {dimension_numbers = #tpu.dot_dimension_numbers<[1], [0], [0], [1], [0, 0, 1, 1], [], []>, transpose_lhs_hint = false} : vector<33x11xf32>, vector<11x64xf32>, vector<33x64xf32> -> vector<33x64xf32>
    %get3A_6 = arith.constant 0 : index
    %get3A_7 = arith.constant 0 : index
    %get3A_8 = vector.load %arg1[%get3A_6, %get3A_7] : memref<33x3xf32, #tpu.memory_space<vmem>>, vector<33x3xf32>
    %get3A_9 = arith.constant 0 : index
    %get3A_10 = arith.constant 0 : index
    %get3A_11 = vector.load %arg3[%get3A_9, %get3A_10] : memref<3x64xf32, #tpu.memory_space<vmem>>, vector<3x64xf32>
    %dot_general3A_12 = arith.constant dense<0.000000e+00> : vector<33x64xf32>
    %dot_general3A_13 = tpu.matmul %get3A_8, %get3A_11, %dot_general3A_12 {dimension_numbers = #tpu.dot_dimension_numbers<[1], [0], [0], [1], [0, 0, 1, 1], [], []>, transpose_lhs_hint = false} : vector<33x3xf32>, vector<3x64xf32>, vector<33x64xf32> -> vector<33x64xf32>
    %get3A_14 = arith.constant 0 : index
    %get3A_15 = arith.constant 0 : index
    %get3A_16 = vector.load %arg4[%get3A_14, %get3A_15] : memref<64x64xf32, #tpu.memory_space<vmem>>, vector<64x64xf32>
    %dot_general3A_17 = arith.constant dense<0.000000e+00> : vector<33x64xf32>
    %dot_general3A_18 = tpu.matmul %dot_general3A_5, %get3A_16, %dot_general3A_17 {dimension_numbers = #tpu.dot_dimension_numbers<[1], [0], [0], [1], [0, 0, 1, 1], [], []>, transpose_lhs_hint = false} : vector<33x64xf32>, vector<64x64xf32>, vector<33x64xf32> -> vector<33x64xf32>
    %get3A_19 = arith.constant 0 : index
    %get3A_20 = arith.constant 0 : index
    %get3A_21 = vector.load %arg5[%get3A_19, %get3A_20] : memref<64x64xf32, #tpu.memory_space<vmem>>, vector<64x64xf32>
    %dot_general3A_22 = arith.constant dense<0.000000e+00> : vector<33x64xf32>
    %dot_general3A_23 = tpu.matmul %dot_general3A_13, %get3A_21, %dot_general3A_22 {dimension_numbers = #tpu.dot_dimension_numbers<[1], [0], [0], [1], [0, 0, 1, 1], [], []>, transpose_lhs_hint = false} : vector<33x64xf32>, vector<64x64xf32>, vector<33x64xf32> -> vector<33x64xf32>
    %add3A = arith.addf %dot_general3A_18, %dot_general3A_23 : vector<33x64xf32>
    %get3A_24 = arith.constant 0 : index
    %get3A_25 = arith.constant 0 : index
    %get3A_26 = vector.load %arg6[%get3A_24, %get3A_25] : memref<1x64xf32, #tpu.memory_space<vmem>>, vector<1x64xf32>
    %add3A_27 = vector.broadcast %get3A_26 : vector<1x64xf32> to vector<33x64xf32>
    %add3A_28 = arith.addf %add3A, %add3A_27 : vector<33x64xf32>
    %swap3A = arith.constant 0 : index
    %swap3A_29 = arith.constant 0 : index
    %swap3A_30 = vector.load %arg7[%swap3A, %swap3A_29] : memref<33x64xf32, #tpu.memory_space<vmem>>, vector<33x64xf32>
    tpu.vector_store %arg7[%swap3A, %swap3A_29], %add3A_28 {strides = array<i32>} : memref<33x64xf32, #tpu.memory_space<vmem>>, vector<33x64xf32>,
    return
  }
}

</mosaic_0001>

<sc_bundles>
// kernel: kernel.6.cloned.1.call-start
scs
__scs_entry_jumppad:
0x0: {  	(pc) =	sbr.rel $0x88, $3  }
0x1: {  	(tag) =	ssettag $0x0;
	lr =	simm.s32 $0x1  }
0x2: {  	[smem:$0x3F9B] =	sst lr;
	_ =	strace $0xD0000000  }
0x3: {  	_ = 	snop  }
0x4: {  	_ = 	snop  }
0x5: {  	_ = 	snop  }
0x6: {  	_ = 	snop  }
0x7: {  	_ = 	snop  }
__scs_overlays_trampoline_lowered:
0x8: {  	[smem:$0x3FAA] =	sst s0  }
0x9: {  	[smem:$0x3FAB] =	sst s1  }
0xa: {  	[smem:$0x3FAC] =	sst s2  }
0xb: {  	[smem:$0x3FAD] =	sst s3  }
0xc: {  	[smem:$0x3FAE] =	sst s4  }
0xd: {  	[smem:$0x3FAF] =	sst s5  }
0xe: {  	[smem:$0x3FB0] =	sst s6  }
0xf: {  	[smem:$0x3FB1] =	sst s7  }
0x10: {  	[smem:$0x3FB2] =	sst s8  }
0x11: {  	[smem:$0x3FB3] =	sst s9;
	s0 =	simm.s32 @!p0 $0x0  }
0x12: {  	s1 =	sld [smem:$0x3F99];
	s0 =	simm.s32 @p0 $0x1  }
0x13: {  	[smem:$0x3FB4] =	sst s0;
	s0 =	simm.s32 @!p1 $0x0  }
0x14: {  	s2 =	sld [smem:$0x3F98];
	s0 =	simm.s32 @p1 $0x1  }
0x15: {  	[smem:$0x3FB5] =	sst s0;
	s0 =	simm.s32 @!p2 $0x0  }
0x16: {  	s3 =	sld [smem:$0x3FDB];
	s0 =	simm.s32 @p2 $0x1  }
0x17: {  	s4 =	simm.s32 $0x1BF5;
	[smem:$0x3FB7] =	sst s0  }
0x18: {  	s0 =	sld [smem:$0x3F9A];
	_ =	swait.ge [sflag:s4], $0x0  }
0x19: {  	s7 =	sld [smem:$0x3F9B]  }
0x1a: {  	s8 =	sadd.s32 $0xFFFFE003, lr  }
0x1b: {  	s9 =	sadd.s32 $0xFFFFFEF7, lr;
	s5 =	simm.s32 $0xFFFFFFFF;
	p2 =	slt.u32 s8, $0xFFFFF086  }
0x1c: {  	p1 =	slt.u32 s9, $0xF7A;
	s5 =	simm.s32 @!p2 $0x0  }
0x1d: {  	s5 =	simm.s32 @p1 $0x1;
	p0 =	seq.s32 s7, s2  }
0x1e: {  	s7 =	smul.u32 @!p0 $0xF7A, s2;
	p2 =	seq.s32 @!p0 s5, $0x0  }
0x1f: {  	s9 =	smul.u32 $0xF7A, s1;
	s8 =	simm.s32 @!p0 $0x1BF5;
	p2 =	por !p2, p0  }
0x20: {  	[sflag:s8] =	ssyncset.s32 @!p0 $0xFFFFF086;
	s6 =	sadd.s32 @!p0 s3, s7;
	s7 =	simm.s32 @!p0 $0x108  }
0x21: {  	s3 =	sadd.s32 s3, s9;
	s6 =	sadd.s32 @!p0 $0x88, s6;
	s7 =	simm.s32 @p2 $0x1082  }
0x22: {  	[simem:s7], [sflag:s8] =	dma.local @!p0 [hbm:s6], $0xF7A  }
0x23: {  	s9 =	sor.u32 $0xD0000000, s2;
	s6 =	simm.s32 $0x108;
	_ =	swait.ge @!p0 [sflag:s8], $0x0  }
0x24: {  	s3 =	sadd.s32 $0x88, s3;
	s6 =	simm.s32 @!p1 $0x1082;
	[sflag:s4] =	ssyncset.s32 $0xFFFFF086  }
0x25: {  	[simem:s6], [sflag:s4] =	dma.local [hbm:s3], $0xF7A  }
0x26: {  	[smem:$0x3F9B] =	sst s1;
	(tag) =	ssettag s2;
	_ =	strace s9  }
0x27: {  	s1 =	sld [smem:$0x3FAB]  }
0x28: {  	s2 =	sld [smem:$0x3FAC]  }
0x29: {  	s4 =	sld [smem:$0x3FAE]  }
0x2a: {  	p0 =	seq.s32 s5, $0x0;
	s5 =	sld [smem:$0x3FAF]  }
0x2b: {  	s6 =	sld [smem:$0x3FB0]  }
0x2c: {  	s7 =	sld [smem:$0x3FB1]  }
0x2d: {  	s3 =	simm.s32 $0x108;
	s8 =	sld [smem:$0x3FB2]  }
0x2e: {  	s3 =	simm.s32 @!p0 $0x1082;
	s9 =	sld [smem:$0x3FB3]  }
0x2f: {  	lr =	sadd.s32 s0, s3;
	s0 =	sld [smem:$0x3FAA]  }
0x30: {  	s3 =	sld [smem:$0x3FAD]  }
0x31: {  	[smem:$0x3FB6] =	sst s10  }
0x32: {  	s10 =	sld [smem:$0x3FB4];
	_ =	sdelay $0x3  }
0x33: {  	p0 =	seq.s32 s10, $0x1;
	s10 =	sld [smem:$0x3FB6];
	_ =	sdelay $0x3  }
0x34: {  	[smem:$0x3FB6] =	sst s10  }
0x35: {  	s10 =	sld [smem:$0x3FB5];
	_ =	sdelay $0x3  }
0x36: {  	p1 =	seq.s32 s10, $0x1;
	s10 =	sld [smem:$0x3FB6];
	_ =	sdelay $0x3  }
0x37: {  	[smem:$0x3FB6] =	sst s10  }
0x38: {  	s10 =	sld [smem:$0x3FB7]  }
0x39: {  	_ = 	snop;
	(pc) =	sbr.ind lr, $3  }
0x3a: {  	_ = 	snop  }
0x3b: {  	_ = 	snop  }
0x3c: {  	p2 =	seq.s32 s10, $0x1;
	s10 =	sld [smem:$0x3FB6]  }
0x3d: {  	_ =	shalt  }
0x3e: {  	_ =	shalt  }
0x3f: {  	_ =	shalt  }
0x40: {  	_ =	shalt  }
0x41: {  	_ =	shalt  }
0x42: {  	_ =	shalt  }
0x43: {  	_ =	shalt  }
0x44: {  	_ =	shalt  }
0x45: {  	_ =	shalt  }
0x46: {  	_ =	shalt  }
0x47: {  	_ =	shalt  }
0x48: {  	_ =	shalt  }
0x49: {  	_ =	shalt  }
0x4a: {  	_ =	shalt  }
0x4b: {  	_ =	shalt  }
0x4c: {  	_ =	shalt  }
0x4d: {  	_ =	shalt  }
0x4e: {  	_ =	shalt  }
0x4f: {  	_ =	shalt  }
0x50: {  	_ =	shalt  }
0x51: {  	_ =	shalt  }
0x52: {  	_ =	shalt  }
0x53: {  	_ =	shalt  }
0x54: {  	_ =	shalt  }
0x55: {  	_ =	shalt  }
0x56: {  	_ =	shalt  }
0x57: {  	_ =	shalt  }
0x58: {  	_ =	shalt  }
0x59: {  	_ =	shalt  }
0x5a: {  	_ =	shalt  }
0x5b: {  	_ =	shalt  }
0x5c: {  	_ =	shalt  }
0x5d: {  	_ =	shalt  }
0x5e: {  	_ =	shalt  }
0x5f: {  	_ =	shalt  }
0x60: {  	_ =	shalt  }
0x61: {  	_ =	shalt  }
0x62: {  	_ =	shalt  }
0x63: {  	_ =	shalt  }
0x64: {  	_ =	shalt  }
0x65: {  	_ =	shalt  }
0x66: {  	_ =	shalt  }
0x67: {  	_ =	shalt  }
0x68: {  	_ =	shalt  }
0x69: {  	_ =	shalt  }
0x6a: {  	_ =	shalt  }
0x6b: {  	_ =	shalt  }
0x6c: {  	_ =	shalt  }
0x6d: {  	_ =	shalt  }
0x6e: {  	_ =	shalt  }
0x6f: {  	_ =	shalt  }
0x70: {  	_ =	shalt  }
0x71: {  	_ =	shalt  }
0x72: {  	_ =	shalt  }
0x73: {  	_ =	shalt  }
0x74: {  	_ =	shalt  }
0x75: {  	_ =	shalt  }
0x76: {  	_ =	shalt  }
0x77: {  	_ =	shalt  }
0x78: {  	_ =	shalt  }
0x79: {  	_ =	shalt  }
0x7a: {  	_ =	shalt  }
0x7b: {  	_ =	shalt  }
0x7c: {  	_ =	shalt  }
0x7d: {  	_ =	shalt  }
0x7e: {  	_ =	shalt  }
0x7f: {  	_ =	shalt  }
0x80: {  	_ =	shalt  }
0x81: {  	_ =	shalt  }
0x82: {  	_ =	shalt  }
0x83: {  	_ =	shalt  }
0x84: {  	_ =	shalt  }
0x85: {  	_ =	shalt  }
0x86: {  	_ =	shalt  }
0x87: {  	_ =	shalt  }
.Lfunc_end0:
.L_simem_size_0:
called_computation_lowered:
.L_overlay_start_0:
0x88: {  	s2 =	sld [smem:$0x3FD9]  }
0x89: {  	s3 =	sld [smem:$0x3FFE];
	_ =	sdelay $0x1  }
0x8a: {  	s1 =	srdreg.scid  }
0x8b: {  	s0 =	sand.u32 $0x1, s1  }
0x8c: {  	s17 =	sshll.u32 s0, $0xA;
	s2 =	sadd.s32 s3, s2  }
0x8d: {  	s2 =	sadd.s32 s2, s17  }
0x8e: {  	[smem:$0x3FC2] =	sst s2  }
0x8f: {  	_ = 	snop  }
0x90: {  	s2 =	sld [smem:$0x3FC8]  }
0x91: {  	s18 =	sld [smem:$0x3FD0];
	(tm) =	ssettm $0x1  }
0x92: {  	s4 =	sld [smem:$0x3FFB];
	_ =	sdelay $0x3  }
0x93: {  	_ =	strace s4  }
0x94: {  	s4 =	sld [smem:$0x3FFC];
	_ =	sdelay $0x3  }
0x95: {  	_ =	strace s4  }
0x96: {  	s4 =	sld [smem:$0x3FFD];
	_ =	sdelay $0x3  }
0x97: {  	_ =	strace s4  }
0x98: {  	_ =	strace $0x8FFFFFFF  }
0x99: {  	s19 =	sld [smem:$0x3FDB];
	_ =	sdelay $0x1  }
0x9a: {  	s5 =	simm.s32 $_scs_section_size  }
0x9b: {  	s6 =	simm.s32 $_size__tile_overlayer_lowered;
	s7 =	simm.s32 $_tile_overlayer_lowered  }
0x9c: {  	s22 =	simm.s32 $0x1BFF;
	s21 =	sshll.u32 s7, $0x1;
	s4 =	sadd.s32 s5, s19  }
0x9d: {  	s8 =	simm.s32 $0x0;
	s20 =	sshll.u32 s6, $0x1;
	s6 =	sadd.s32 s21, s4  }
0x9e: {  	[timem:s8], [sflag:s22] =	dma.local [hbm:s6], s20  }
0x9f: {  	_ =	swait.ge [sflag:s22], s20  }
0xa0: {  	s5 =	ssub.s32 $0x0, s20;
	[sflag:s22] =	ssyncset.done $0x0  }
0xa1: {  	[sflag:s22] =	ssyncadd.s32 s5;
	_ =	sdelay $0x1  }
0xa2: {  	s23 =	simm.s32 $0x1B8B  }
0xa3: {  	_ =	swait.ge [sflag:s23], $0x1  }
0xa4: {  	[sflag:s23] =	ssyncset.done $0x0  }
0xa5: {  	s25 =	simm.s32 $0x1B8E;
	s24 =	sld [smem:$0x3FFE];
	[sflag:s23] =	ssyncadd.s32 $0xFFFFFFFF  }
0xa6: {  	s26 =	simm.s32 $execute0_lowered;
	[smem:$0x3FD2] =	sst s25  }
0xa7: {  	s6 =	sshll.u32 s26, $0x1;
	_ =	strace $0x80000046;
	[dreg:$0x1] =	wrdreg $0xFFFFFFFF  }
0xa8: {  	s28 =	simm.s32 $_size_execute0_lowered;
	s4 =	sadd.s32 s4, s6;
	[dreg:$0x0] =	wrdreg $0x0  }
0xa9: {  	s6 =	sshll.u32 s28, $0x1;
	[dreg:$0x2] =	wrdreg s4  }
0xaa: {  	[dreg:$0x3] =	wrdreg s6  }
0xab: {  	[dreg:$0x4] =	wrdreg $0xC0  }
0xac: {  	_ =	task [dreg:s8], $0x5FFFF  }
0xad: {  	[dreg:$0x1] =	wrdreg $0xFFFFFFFF  }
0xae: {  	[dreg:$0x0] =	wrdreg $0x60  }
0xaf: {  	[dreg:$0x2] =	wrdreg s24  }
0xb0: {  	[dreg:$0x3] =	wrdreg s2  }
0xb1: {  	[dreg:$0x4] =	wrdreg s18  }
0xb2: {  	[dreg:$0x5] =	wrdreg $0x9  }
0xb3: {  	_ =	task.clear_ibuf [dreg:s8], $0x6FFFF;
	_ =	strace $0x90000046  }
0xb4: {  	s29 =	simm.s32 $0x9;
	_ =	strace $0x80000048  }
0xb5: {  	_ =	swait.ge [sflag:s29], $0x1  }
0xb6: {  	[sflag:s29] =	ssyncadd.s32 $0xFFFFFFFF  }
0xb7: {  	_ =	strace $0x90000048  }
0xb8: {  	_ =	sfence  }
0xb9: {  	s30 =	sld [smem:$0x0];
	_ =	sdelay $0x2  }
0xba: {  	s31 =	sshll.u32 s1, $0xD;
	s1 =	sshrl.u32 s1, $0x2  }
0xbb: {  	s3 =	sand.u32 $0x4000, s31;
	s1 =	sadd.s32 s1, s30  }
0xbc: {  	s0 =	sor.u32 s3, s0;
	s1 =	sshll.u32 s1, $0x11  }
0xbd: {  	s0 =	sor.u32 s1, s0  }
0xbe: {  	s0 =	sadd.s32 $0x8F2B, s0  }
0xbf: {  	[sflag:s0] =	ssyncadd.remote.s32 $0x1  }
0xc0: {  	_ =	sfence.sel $0xFFFF  }
0xc1: {  	[dreg:$0x0] =	wrdreg $0xFFFFFFFF;
	(pc) =	sbr.abs _section_cstart, $3  }
0xc2: {  	[dreg:$0x1] =	wrdreg $0xFFFFFFFF  }
0xc3: {  	_ =	task.clear_ibuf [dreg:s8], $0x2FFFF;
	_ =	strace $0x9FFFFFFF  }
0xc4: {  	(tm) =	ssettm $0x7FFFFFFF  }
0xc5: {  	_ =	shalt  }
tec
execute0_lowered:
.L_overlay_start_1:
0x0: {  	(tag) =	ssettag $0x1  }
0x1: {  	s10 =	rddreg [dreg:$0x0]  }
0x2: {  	s1 =	rddreg [dreg:$0x1]  }
0x3: {  	s2 =	rddreg [dreg:$0x2]  }
0x4: {  	s0 =	rddreg [dreg:$0x3]  }
0x5: {  	s4 =	simm.s32 $0x0;
	s6 =	srdreg.scid;
	s3 =	stileid.u32  }
0x6: {  	s13 =	simm.s32 $0x3;
	s14 =	simm.s32 $0xC350;
	s15 =	simm.s32 $0xCF90  }
0x7: {  	s16 =	simm.s32 $0x1;
	s17 =	simm.s32 $0x2;
	s18 =	simm.s32 $0xDBD0  }
0x8: {  	[smem:$0x7FF] =	sst s4;
	s5 =	sadd.s32 $0x1600, s10;
	s7 =	sand.u32 $0x1, s6  }
0x9: {  	s8 =	sshll.u32 s3, $0x1;
	s6 =	sadd.s32 $0x19E00, s10;
	s11 =	sadd.s32 $0x18678, s2  }
.Ltmp0:
0xa: {  	_ =	strace $0x80000047;
	s9 =	ssub.s32 $0x2, s7;
	(pc) =	sbr.rel .LBB2_1-.Ltmp0, $4  }
0xb: {  	s19 =	sor.u32 s7, s8;
	s7 =	simm.s32 $0x7;
	s31 =	sshrl.u32 s9, $0x1  }
0xc: {  	p0 =	seq.s32 s19, $0x1F;
	s8 =	smul.u32 $0x6200, s19;
	s12 =	ssub.s32 s9, s31  }
0xd: {  	s7 =	simm.s32 @!p0 $0x8;
	s9 =	sadd.s32 $0x19C78, s10;
	s10 =	sadd.s32 $0x32478, s10  }
0xe: {  	v0 =	vimm.s32 $0x2;
	v1 =	vimm.s32 $0x0;
	p0 =	sne.s32 s19, $0x1F;
	s19 =	simm.s32 $0x0;
	s12 =	smax.u32 s12, $0x1  }
.LBB2_11:
0xf: {  	s19 =	sadd.s32 $0x1, s19  }
0x10: {  	p1 =	sne.s32 s19, s12  }
.Ltmp1:
0x11: {  	_ = 	snop;
	(pc) =	sbr.rel @!p1 .LBB2_12-.Ltmp1, $1  }
0x12: {  	_ =	sdelay $0x3  }
.LBB2_1:
0x13: {  	[tilespmem:s4], [sflag:$0x3] =	stream.linear.gather [hbm4b:s1+s4], $0xC350, $0x38;
	[tilespmem:$0xE810] =	vst v63  }
0x14: {  	_ =	swait.ge [sflag:s13], $0xC350  }
0x15: {  	[sflag:s13] =	ssyncset.done $0x0  }
0x16: {  	s20 =	simm.s32 $0x0;
	[sflag:s13] =	ssyncadd.s32 $0xFFFF3CB0  }
.LBB2_2:
0x17: {  	s21 =	smul.u32 $0xC40, s20;
	_ =	sdelay $0x1  }
0x18: {  	s21 =	sadd.s32 s8, s21  }
0x19: {  	s21 =	sshrl.u32 s21, $0x3  }
0x1a: {  	s23 =	simm.s32 $0x0;
	s22 =	sadd.s32 s5, s21  }
0x1b: {  	[tilespmem:s14], [sflag:$0x1] =	stream.linear.gather [hbm4b:s22+s23], $0xC40, $0x38;
	[tilespmem:$0xE810] =	vst v63  }
0x1c: {  	s31 =	sadd.s32 s6, s21  }
0x1d: {  	[tilespmem:s15], [sflag:$0x2] =	stream.linear.gather [hbm4b:s31+s23], $0xC40, $0x38;
	[tilespmem:$0xE810] =	vst v63  }
0x1e: {  	_ =	swait.ge [sflag:s16], $0xC40  }
0x1f: {  	[sflag:s16] =	ssyncset.done $0x0  }
0x20: {  	[sflag:s16] =	ssyncadd.s32 $0xFFFFF3C0  }
0x21: {  	_ =	swait.ge [sflag:s17], $0xC40  }
0x22: {  	[sflag:s17] =	ssyncset.done $0x0  }
0x23: {  	s22 =	simm.s32 $0x0;
	[sflag:s17] =	ssyncadd.s32 $0xFFFFF3C0  }
0x24: {  	v2 =	vld [tilespmem:s22+$0xCF90]  }
0x25: {  	v3 =	vld [tilespmem:s22+$0xC350];
	_ =	sdelay $0x3  }
0x26: {  	vm0 =	vgt.s32 v2, $0x0  }
0x27: {  	vm1 =	vgt.s32 v3, $0x0;
	v2 =	vnsel vm0, $0x0, v2  }
0x28: {  	v3 =	vnsel vm1, $0x0, v3;
	v2 =	vmin.u32 v2, $0xC34F  }
0x29: {  	v3 =	vmin.u32 v3, $0xC34F;
	_ =	sdelay $0x3  }
0x2a: {  	v2 =	vld.idx.msk [tilespmem:v2+s4+$0x0], $0xffff  }
0x2b: {  	s23 =	simm.s32 $0x10;
	v3 =	vld.idx.msk [tilespmem:v3+s4+$0x0], $0xffff  }
0x2c: {  	v4 =	vld [tilespmem:s23+$0xC350]  }
0x2d: {  	s24 =	simm.s32 $0x80;
	v5 =	vld [tilespmem:s23+$0xCF90]  }
.LBB2_3:
0x2e: {  	p1 =	sne.s32 s24, $0x30C0;
	_ =	sdelay $0x1  }
0x2f: {  	vm0 =	vlt.s32 v3, v2  }
0x30: {  	v6 =	vsel vm0, v3, v2  }
0x31: {  	vm1 =	vgt.s32 v4, $0x0;
	vm3 =	vgt.s32 v6, $0x0;
	vm2 =	vgt.s32 v5, $0x0  }
0x32: {  	v4 =	vnsel vm1, $0x0, v4;
	v6 =	vnsel vm3, $0x0, v6;
	v5 =	vnsel vm2, $0x0, v5  }
0x33: {  	vm1 =	vgt.s32 v3, v2;
	v6 =	vmin.u32 v6, $0xA;
	v5 =	vmin.u32 v5, $0xC34F  }
0x34: {  	v3 =	vmin.u32 v4, $0xC34F;
	v2 =	vsel vm1, $0x0, v0;
	v4 =	vmul.u32 $0x3, v6  }
0x35: {  	v2 =	vsel vm0, $0x1, v2  }
0x36: {  	v2 =	vadd.s32 v2, v4  }
0x37: {  	[tilespmem:s22+$0xDBD0] =	vst v2;
	s22 =	smov.u32 s23  }
.Ltmp2:
0x38: {  	v2 =	vld.idx.msk [tilespmem:v5+s4+$0x0], $0xffff;
	(pc) =	sbr.rel @p1 .LBB2_3-.Ltmp2, $4  }
0x39: {  	v3 =	vld.idx.msk [tilespmem:v3+s4+$0x0], $0xffff  }
0x3a: {  	s23 =	sshra.s32 s24, $0x2  }
0x3b: {  	v4 =	vld [tilespmem:s23+$0xC350]  }
0x3c: {  	s24 =	sadd.s32 $0x40, s24;
	v5 =	vld [tilespmem:s23+$0xCF90]  }
0x3d: {  	_ = 	snop  }
0x3e: {  	vm0 =	vlt.s32 v3, v2  }
0x3f: {  	v6 =	vsel vm0, v3, v2  }
0x40: {  	vm12 =	vgt.s32 v3, v2;
	vm1 =	vgt.s32 v4, $0x0;
	vm3 =	vgt.s32 v6, $0x0  }
0x41: {  	vm2 =	vgt.s32 v5, $0x0;
	v4 =	vnsel vm1, $0x0, v4;
	v6 =	vnsel vm3, $0x0, v6  }
0x42: {  	v5 =	vnsel vm2, $0x0, v5;
	v6 =	vmin.u32 v6, $0xA;
	v2 =	vmin.u32 v4, $0xC34F  }
0x43: {  	v3 =	vsel vm12, $0x0, v0;
	v5 =	vmin.u32 v5, $0xC34F;
	v62 =	vmul.u32 $0x3, v6  }
0x44: {  	v3 =	vsel vm0, $0x1, v3  }
0x45: {  	v3 =	vadd.s32 v3, v62  }
0x46: {  	[tilespmem:s22+$0xDBD0] =	vst v3  }
0x47: {  	v2 =	vld.idx.msk [tilespmem:v2+s4+$0x0], $0xffff  }
0x48: {  	v3 =	vld.idx.msk [tilespmem:v5+s4+$0x0], $0xffff;
	_ =	sdelay $0x4  }
0x49: {  	vm13 =	vlt.s32 v2, v3  }
0x4a: {  	v63 =	vsel vm13, v2, v3  }
0x4b: {  	vm14 =	vgt.s32 v63, $0x0  }
0x4c: {  	v4 =	vnsel vm14, $0x0, v63  }
0x4d: {  	vm15 =	vgt.s32 v2, v3;
	v4 =	vmin.u32 v4, $0xA  }
0x4e: {  	v2 =	vsel vm15, $0x0, v0;
	v3 =	vmul.u32 $0x3, v4  }
0x4f: {  	s20 =	sadd.s32 $0x1, s20;
	v2 =	vsel vm13, $0x1, v2  }
0x50: {  	p1 =	sne.s32 s20, s7;
	v2 =	vadd.s32 v2, v3  }
.Ltmp3:
0x51: {  	s21 =	sadd.s32 s2, s21;
	[tilespmem:s23+$0xDBD0] =	vst v2;
	(pc) =	sbr.rel @p1 .LBB2_2-.Ltmp3, $4  }
0x52: {  	[hbm4b:s21+s4] =	stream.linear.scatter [tilespmem:s18], [sflag:$0x3], $0xC40, $0x38;
	[tilespmem:$0xE810] =	vst v63  }
0x53: {  	_ =	swait.ge [sflag:s13], $0xC40  }
0x54: {  	[sflag:s13] =	ssyncset.done $0x0  }
0x55: {  	[sflag:s13] =	ssyncadd.s32 $0xFFFFF3C0  }
.Ltmp4:
0x56: {  	(pc) =	sbr.rel @p0 .LBB2_11-.Ltmp4, $1  }
0x57: {  	_ =	sdelay $0x3  }
0x58: {  	s20 =	simm.s32 $0x0  }
0x59: {  	[tilespmem:s14], [sflag:$0x3] =	stream.linear.gather [hbm4b:s9+s20], $0x140, $0x38;
	[tilespmem:$0xE810] =	vst v63  }
0x5a: {  	_ =	swait.ge [sflag:s13], $0x140  }
0x5b: {  	[sflag:s13] =	ssyncset.done $0x0  }
0x5c: {  	[sflag:s13] =	ssyncadd.s32 $0xFFFFFEC0  }
0x5d: {  	[tilespmem:s15], [sflag:$0x3] =	stream.linear.gather [hbm4b:s10+s20], $0x140, $0x38;
	[tilespmem:$0xE810] =	vst v63  }
0x5e: {  	_ =	swait.ge [sflag:s13], $0x140  }
0x5f: {  	[sflag:s13] =	ssyncset.done $0x0  }
0x60: {  	s20 =	simm.s32 $0x0;
	[sflag:s13] =	ssyncadd.s32 $0xFFFFFEC0  }
0x61: {  	v2 =	vld [tilespmem:s20+$0xCF90]  }
0x62: {  	v3 =	vld [tilespmem:s20+$0xC350];
	_ =	sdelay $0x3  }
0x63: {  	vm0 =	vgt.s32 v2, $0x0  }
0x64: {  	vm1 =	vgt.s32 v3, $0x0;
	v2 =	vnsel vm0, $0x0, v2  }
0x65: {  	v3 =	vnsel vm1, $0x0, v3;
	v2 =	vmin.u32 v2, $0xC34F  }
0x66: {  	v3 =	vmin.u32 v3, $0xC34F;
	_ =	sdelay $0x3  }
0x67: {  	v2 =	vld.idx.msk [tilespmem:v2+s4+$0x0], $0xffff  }
0x68: {  	s21 =	simm.s32 $0x10;
	v3 =	vld.idx.msk [tilespmem:v3+s4+$0x0], $0xffff  }
0x69: {  	v4 =	vld [tilespmem:s21+$0xC350]  }
0x6a: {  	s22 =	simm.s32 $0x80;
	v5 =	vld [tilespmem:s21+$0xCF90]  }
.LBB2_7:
0x6b: {  	p1 =	sne.s32 s22, $0x4C0;
	_ =	sdelay $0x1  }
0x6c: {  	vm0 =	vlt.s32 v3, v2  }
0x6d: {  	v6 =	vsel vm0, v3, v2  }
0x6e: {  	vm1 =	vgt.s32 v4, $0x0;
	vm3 =	vgt.s32 v6, $0x0;
	vm2 =	vgt.s32 v5, $0x0  }
0x6f: {  	v4 =	vnsel vm1, $0x0, v4;
	v6 =	vnsel vm3, $0x0, v6;
	v5 =	vnsel vm2, $0x0, v5  }
0x70: {  	vm1 =	vgt.s32 v3, v2;
	v6 =	vmin.u32 v6, $0xA;
	v5 =	vmin.u32 v5, $0xC34F  }
0x71: {  	v3 =	vmin.u32 v4, $0xC34F;
	v2 =	vsel vm1, $0x0, v0;
	v4 =	vmul.u32 $0x3, v6  }
0x72: {  	v2 =	vsel vm0, $0x1, v2  }
0x73: {  	v2 =	vadd.s32 v2, v4  }
0x74: {  	[tilespmem:s20+$0xDBD0] =	vst v2;
	s20 =	smov.u32 s21  }
.Ltmp5:
0x75: {  	v2 =	vld.idx.msk [tilespmem:v5+s4+$0x0], $0xffff;
	(pc) =	sbr.rel @p1 .LBB2_7-.Ltmp5, $4  }
0x76: {  	v3 =	vld.idx.msk [tilespmem:v3+s4+$0x0], $0xffff  }
0x77: {  	s21 =	sshra.s32 s22, $0x2  }
0x78: {  	v4 =	vld [tilespmem:s21+$0xC350]  }
0x79: {  	s22 =	sadd.s32 $0x40, s22;
	v5 =	vld [tilespmem:s21+$0xCF90]  }
0x7a: {  	_ = 	snop  }
0x7b: {  	vm0 =	vlt.s32 v3, v2  }
0x7c: {  	v6 =	vsel vm0, v3, v2  }
0x7d: {  	vm12 =	vgt.s32 v3, v2;
	vm1 =	vgt.s32 v4, $0x0;
	vm3 =	vgt.s32 v6, $0x0  }
0x7e: {  	vm2 =	vgt.s32 v5, $0x0;
	v4 =	vnsel vm1, $0x0, v4;
	v6 =	vnsel vm3, $0x0, v6  }
0x7f: {  	v5 =	vnsel vm2, $0x0, v5;
	v6 =	vmin.u32 v6, $0xA;
	v2 =	vmin.u32 v4, $0xC34F  }
0x80: {  	v3 =	vsel vm12, $0x0, v0;
	v5 =	vmin.u32 v5, $0xC34F;
	v62 =	vmul.u32 $0x3, v6  }
0x81: {  	v3 =	vsel vm0, $0x1, v3  }
0x82: {  	v3 =	vadd.s32 v3, v62  }
0x83: {  	[tilespmem:s20+$0xDBD0] =	vst v3  }
0x84: {  	v2 =	vld.idx.msk [tilespmem:v2+s4+$0x0], $0xffff  }
0x85: {  	v3 =	vld.idx.msk [tilespmem:v5+s4+$0x0], $0xffff;
	_ =	sdelay $0x4  }
0x86: {  	vm13 =	vlt.s32 v2, v3  }
0x87: {  	v63 =	vsel vm13, v2, v3  }
0x88: {  	vm14 =	vgt.s32 v63, $0x0  }
0x89: {  	v4 =	vnsel vm14, $0x0, v63  }
0x8a: {  	vm15 =	vgt.s32 v2, v3;
	v4 =	vmin.u32 v4, $0xA  }
0x8b: {  	v2 =	vsel vm15, $0x0, v0;
	v3 =	vmul.u32 $0x3, v4  }
0x8c: {  	v2 =	vsel vm13, $0x1, v2  }
0x8d: {  	v2 =	vadd.s32 v2, v3  }
0x8e: {  	s20 =	simm.s32 $0x540;
	[tilespmem:s21+$0xDBD0] =	vst v2;
	s21 =	simm.s32 $0x140  }
.LBB2_9:
0x8f: {  	p1 =	sne.s32 s20, $0x30C0;
	[tilespmem:s21+$0xDBD0] =	vst v1;
	s21 =	smov.u32 s20;
	s20 =	sadd.s32 $0x40, s20  }
.Ltmp6:
0x90: {  	(pc) =	sbr.rel @p1 .LBB2_9-.Ltmp6, $2  }
0x91: {  	_ =	sdelay $0x2  }
0x92: {  	s21 =	sshra.s32 s21, $0x2  }
.Ltmp7:
0x93: {  	[tilespmem:s21+$0xDBD0] =	vst v1;
	(pc) =	sbr.rel .LBB2_11-.Ltmp7, $4  }
0x94: {  	[hbm4b:s11+s4] =	stream.linear.scatter [tilespmem:s18], [sflag:$0x3], $0xC40, $0x38;
	[tilespmem:$0xE810] =	vst v63  }
0x95: {  	_ =	swait.ge [sflag:s13], $0xC40  }
0x96: {  	[sflag:s13] =	ssyncset.done $0x0  }
0x97: {  	[sflag:s13] =	ssyncadd.s32 $0xFFFFF3C0  }
.LBB2_12:
0x98: {  	_ =	sfence.sel $0x180000  }
0x99: {  	[bflag:$0x0] =	sbarrier.arrive $0xFFFF  }
0x9a: {  	p0 =	sne.s32 s3, $0x0;
	_ =	strace $0x90000047  }
0x9b: {  	s0 =	sadd.s32 @!p0 $0x100000, s0;
	[bflag:$0x2] =	sbarrier.arrive $0xFFFF  }
0x9c: {  	[sflag:s0] =	ssyncadd.tile.s32 @!p0 $0x1;
	_ =	shalt  }
.Lfunc_end2:
_tile_overlayer_lowered:
.L_overlay_start_2:
0x9d: {  	(tag) =	ssettag $0x2  }
0x9e: {  	s0 =	rddreg [dreg:$0x0];
	s2 =	stileid.u32  }
0x9f: {  	s1 =	rddreg [dreg:$0x1];
	p0 =	sne.s32 s2, $0x0  }
0xa0: {  	s3 =	rddreg [dreg:$0x2];
	[bflag:$0x3] =	sbarrier.arrive $0xFFFF;
	s2 =	simm.s32 @!p0 $0x1C03  }
0xa1: {  	[timem:s3], [sflag:s2] =	dma.local @!p0 [hbm:s0], s1  }
0xa2: {  	s0 =	simm.s32 @!p0 $0x3  }
0xa3: {  	_ =	swait.ge @!p0 [sflag:s0], s1  }
0xa4: {  	s1 =	ssub.s32 @!p0 $0x0, s1;
	[sflag:s0] =	ssyncset.done @!p0 $0x0  }
0xa5: {  	[sflag:s0] =	ssyncadd.s32 @!p0 s1  }
0xa6: {  	[bflag:$0x3] =	sbarrier.arrive $0xFFFF  }
0xa7: {  	_ =	shalt  }

</sc_bundles>
